<compile_context>
chip_gen: v7x
topology: tpu7x:2x2x1
jax: 0.10.2.dev20260603
libtpu: 0.0.44.dev20260713+nightly
codegen_flags: <defaults>
</compile_context>

<pallas_src>
import functools

import jax
import jax.numpy as jnp
from jax import lax
from jax.experimental import pallas as pl
from jax.experimental.pallas import tpu as pltpu
from jax.experimental.pallas import tpu_sc as plsc

N = 2500
E = 10000
G = 128
IN = 32
H1 = 120
H2 = 210
NP = 2560
EP = 10240
CH = 64
CPW = 5
O1 = 128
O2 = 256
EB = 1024
NB = EP // EB



def _sc_gather(table, idx2, d):
    mesh = plsc.VectorSubcoreMesh(core_axis_name="c", subcore_axis_name="s")

    @functools.partial(
        pl.kernel,
        out_type=jax.ShapeDtypeStruct((EP, d), jnp.float32),
        mesh=mesh,
        scratch_types=[
            pltpu.VMEM((CPW, CH), jnp.int32),
            pltpu.VMEM((CPW * CH, d), jnp.float32),
            pltpu.SemaphoreType.DMA,
            pltpu.SemaphoreType.DMA,
        ],
    )
    def k(table_hbm, idx_hbm, out_hbm, idx_v, rows_v, sem, wsem):
        w = lax.axis_index("s") * 2 + lax.axis_index("c")
        pltpu.sync_copy(idx_hbm.at[w], idx_v)
        descs = [
            pltpu.async_copy(table_hbm.at[idx_v.at[j]],
                             rows_v.at[pl.ds(j * CH, CH)], sem)
            for j in range(CPW)
        ]
        wdescs = []
        for j, dsc in enumerate(descs):
            dsc.wait()
            wdescs.append(
                pltpu.async_copy(rows_v.at[pl.ds(j * CH, CH)],
                                 out_hbm.at[pl.ds((w * CPW + j) * CH, CH)],
                                 wsem))
        for dsc in wdescs:
            dsc.wait()

    return k(table, idx2)



def _zform_msg(ea, feat, wa, ba, wflat, bmat, blk, o, hcol):
    h = jnp.maximum(
        jnp.dot(ea, wa, preferred_element_type=jnp.float32) + ba, 0.0)
    z = jnp.concatenate([h[:, k:k + 1] * feat for k in range(32)], axis=1)
    msg = (jnp.dot(z, wflat, preferred_element_type=jnp.float32)
           + jnp.dot(feat, bmat, preferred_element_type=jnp.float32))
    row = blk * EB + lax.broadcasted_iota(jnp.int32, (EB, o), 0)
    lane = lax.broadcasted_iota(jnp.int32, (EB, o), 1)
    realf = (row < E).astype(jnp.float32)
    return jnp.where(lane == hcol, realf, msg * realf)


def _segsum_step(acc_ref, dst, msg):
    i = pl.program_id(0)

    @pl.when(i == 0)
    def _():
        acc_ref[...] = jnp.zeros_like(acc_ref)

    oh = (lax.broadcasted_iota(jnp.int32, (NP, EB), 0) == dst
          ).astype(jnp.float32)
    acc_ref[...] += jnp.dot(oh, msg, preferred_element_type=jnp.float32)


def _segmean(s, o, hcol):
    sel = (lax.broadcasted_iota(jnp.int32, (o, o), 0) == hcol)
    cnt = jnp.dot(s, sel.astype(jnp.float32),
                  preferred_element_type=jnp.float32)
    lane = lax.broadcasted_iota(jnp.int32, (NP, o), 1)
    return jnp.where(lane < hcol, s, 0.0) / jnp.maximum(cnt, 1.0)


def _bn(h, gam, bet, o):
    rowf = (lax.broadcasted_iota(jnp.int32, (NP, o), 0) < N
            ).astype(jnp.float32)
    m = jnp.sum(h * rowf, axis=0, keepdims=True) * (1.0 / N)
    d = (h - m) * rowf
    v = jnp.sum(d * d, axis=0, keepdims=True) * (1.0 / N)
    return (h - m) * lax.rsqrt(v + 1e-5) * gam + bet


def _layer1_body(dst_ref, ea_ref, feat_ref, wa_ref, ba_ref, wflat_ref,
                 bmat_ref, x_ref, root_ref, bias_ref, gam_ref, bet_ref,
                 out_ref, acc_ref):
    i = pl.program_id(0)
    h = jnp.maximum(
        jnp.dot(ea_ref[...], wa_ref[...],
                preferred_element_type=jnp.float32) + ba_ref[...], 0.0)
    feat = feat_ref[:, :32]
    sel = (lax.broadcasted_iota(jnp.int32, (32, 1024), 0)
           == lax.broadcasted_iota(jnp.int32, (32, 1024), 1) // 32
           ).astype(jnp.float32)
    hrep = jnp.dot(h, sel, preferred_element_type=jnp.float32)
    ztile = jnp.tile(jnp.tile(feat, (1, 4)), (1, 8))
    z = hrep * ztile
    msg = (jnp.dot(z, wflat_ref[...], preferred_element_type=jnp.float32)
           + jnp.dot(feat, bmat_ref[...], preferred_element_type=jnp.float32))
    row = i * EB + lax.broadcasted_iota(jnp.int32, (EB, O1), 0)
    lane = lax.broadcasted_iota(jnp.int32, (EB, O1), 1)
    realf = (row < E).astype(jnp.float32)
    msg = jnp.where(lane == H1, realf, msg * realf)
    _segsum_step(acc_ref, dst_ref[...], msg)

    @pl.when(i == NB - 1)
    def _():
        agg = _segmean(acc_ref[...], O1, H1)
        h = jnp.maximum(
            agg + jnp.dot(x_ref[:, :32], root_ref[...],
                          preferred_element_type=jnp.float32)
            + bias_ref[...], 0.0)
        out_ref[...] = _bn(h, gam_ref[...], bet_ref[...], O1)


def _layer2_body(dst_ref, ea_ref, feat_ref, wa_ref, ba_ref, wflat_ref,
                 bmat_ref, h1_ref, root_ref, bias_ref, gam_ref, bet_ref,
                 batch_ref, w3_ref, b3_ref, w4_ref, b4_ref,
                 out_ref, acc_ref):
    i = pl.program_id(0)
    msg = _zform_msg(ea_ref[...], feat_ref[...], wa_ref[...], ba_ref[...],
                     wflat_ref[...], bmat_ref[...], i, O2, H2)
    _segsum_step(acc_ref, dst_ref[...], msg)

    @pl.when(i == NB - 1)
    def _():
        agg = _segmean(acc_ref[...], O2, H2)
        h = jnp.maximum(
            agg + jnp.dot(h1_ref[...], root_ref[...],
                          preferred_element_type=jnp.float32)
            + bias_ref[...], 0.0)
        hbn = _bn(h, gam_ref[...], bet_ref[...], O2)
        oh = (lax.broadcasted_iota(jnp.int32, (G, NP), 0)
              == batch_ref[...]).astype(jnp.float32)
        gs = jnp.dot(oh, hbn, preferred_element_type=jnp.float32)
        gc = jnp.sum(oh, axis=1, keepdims=True)
        g = gs / jnp.maximum(gc, 1.0)
        g = jnp.maximum(
            jnp.dot(g, w3_ref[...], preferred_element_type=jnp.float32)
            + b3_ref[...], 0.0)
        out_ref[...] = (jnp.dot(g, w4_ref[...],
                                preferred_element_type=jnp.float32)
                        + b4_ref[...])


def _tc_layer1(dst_row, ea, xs, wa, ba, wflat, bmat, xp, rootp, biasp,
               gamp, betp):
    return pl.pallas_call(
        _layer1_body,
        grid=(NB,),
        in_specs=[
            pl.BlockSpec((1, EB), lambda i: (0, i)),
            pl.BlockSpec((EB, 16), lambda i: (i, 0)),
            pl.BlockSpec((EB, 128), lambda i: (i, 0)),
            pl.BlockSpec((16, 32), lambda i: (0, 0)),
            pl.BlockSpec((1, 32), lambda i: (0, 0)),
            pl.BlockSpec((1024, O1), lambda i: (0, 0)),
            pl.BlockSpec((32, O1), lambda i: (0, 0)),
            pl.BlockSpec((NP, 128), lambda i: (0, 0)),
            pl.BlockSpec((32, O1), lambda i: (0, 0)),
            pl.BlockSpec((1, O1), lambda i: (0, 0)),
            pl.BlockSpec((1, O1), lambda i: (0, 0)),
            pl.BlockSpec((1, O1), lambda i: (0, 0)),
        ],
        out_specs=pl.BlockSpec((NP, O1), lambda i: (0, 0)),
        out_shape=jax.ShapeDtypeStruct((NP, O1), jnp.float32),
        scratch_shapes=[pltpu.VMEM((NP, O1), jnp.float32)],
    )(dst_row, ea, xs, wa, ba, wflat, bmat, xp, rootp, biasp, gamp, betp)


def _tc_layer2(dst_row, ea, hs, wa, ba, wflat, bmat, h1bn, rootp, biasp,
               gamp, betp, batch_row, w3p, b3p, w4p, b4b):
    return pl.pallas_call(
        _layer2_body,
        grid=(NB,),
        in_specs=[
            pl.BlockSpec((1, EB), lambda i: (0, i)),
            pl.BlockSpec((EB, 16), lambda i: (i, 0)),
            pl.BlockSpec((EB, 128), lambda i: (i, 0)),
            pl.BlockSpec((16, 32), lambda i: (0, 0)),
            pl.BlockSpec((1, 32), lambda i: (0, 0)),
            pl.BlockSpec((4096, O2), lambda i: (0, 0)),
            pl.BlockSpec((128, O2), lambda i: (0, 0)),
            pl.BlockSpec((NP, 128), lambda i: (0, 0)),
            pl.BlockSpec((128, O2), lambda i: (0, 0)),
            pl.BlockSpec((1, O2), lambda i: (0, 0)),
            pl.BlockSpec((1, O2), lambda i: (0, 0)),
            pl.BlockSpec((1, O2), lambda i: (0, 0)),
            pl.BlockSpec((1, NP), lambda i: (0, 0)),
            pl.BlockSpec((O2, 128), lambda i: (0, 0)),
            pl.BlockSpec((1, 128), lambda i: (0, 0)),
            pl.BlockSpec((128, 128), lambda i: (0, 0)),
            pl.BlockSpec((1, 128), lambda i: (0, 0)),
        ],
        out_specs=pl.BlockSpec((G, 128), lambda i: (0, 0)),
        out_shape=jax.ShapeDtypeStruct((G, 128), jnp.float32),
        scratch_shapes=[pltpu.VMEM((NP, O2), jnp.float32)],
    )(dst_row, ea, hs, wa, ba, wflat, bmat, h1bn, rootp, biasp, gamp, betp,
      batch_row, w3p, b3p, w4p, b4b)



def _pad2(a, r, c):
    return jnp.pad(a, ((0, r - a.shape[0]), (0, c - a.shape[1])))


def kernel(x, edge_index, edge_attr, batch, W1a, b1a, W1b, b1b, root1, bias1,
           gamma1, beta1, W2a, b2a, W2b, b2b, root2, bias2, gamma2, beta2,
           W3, b3, W4, b4):
    src2 = jnp.pad(edge_index[0], (0, EP - E)).reshape(32, CPW, CH)
    dst_row = jnp.pad(edge_index[1], (0, EP - E)).reshape(1, EP)
    ea_p = jnp.pad(edge_attr, ((0, EP - E), (0, 0)))
    x_p = _pad2(x, NP, 128)
    batch_row = jnp.pad(batch, (0, NP - N), constant_values=-1).reshape(1, NP)

    w1flat = jnp.pad(W1b.reshape(32, IN, H1),
                     ((0, 0), (0, 0), (0, O1 - H1))).reshape(32 * IN, O1)
    b1mat = _pad2(b1b.reshape(IN, H1), IN, O1)
    w2flat = jnp.pad(W2b.reshape(32, H1, H2),
                     ((0, 0), (0, 128 - H1), (0, O2 - H2))).reshape(32 * 128, O2)
    b2mat = _pad2(b2b.reshape(H1, H2), 128, O2)

    root1p = _pad2(root1, 32, O1)
    root2p = _pad2(root2, 128, O2)
    bias1p = jnp.pad(bias1, (0, O1 - H1)).reshape(1, O1)
    gam1p = jnp.pad(gamma1, (0, O1 - H1)).reshape(1, O1)
    bet1p = jnp.pad(beta1, (0, O1 - H1)).reshape(1, O1)
    bias2p = jnp.pad(bias2, (0, O2 - H2)).reshape(1, O2)
    gam2p = jnp.pad(gamma2, (0, O2 - H2)).reshape(1, O2)
    bet2p = jnp.pad(beta2, (0, O2 - H2)).reshape(1, O2)
    w3p = _pad2(W3, O2, 128)
    b3p = jnp.pad(b3, (0, 128 - 64)).reshape(1, 128)
    w4p = _pad2(W4, 128, 128)
    b4b = jnp.broadcast_to(b4.reshape(1, 1), (1, 128))
    ba1 = b1a.reshape(1, 32)
    ba2 = b2a.reshape(1, 32)

    xs = _sc_gather(x_p, src2, 128)
    h1bn = _tc_layer1(dst_row, ea_p, xs, W1a, ba1, w1flat, b1mat,
                      x_p, root1p, bias1p, gam1p, bet1p)

    hs = _sc_gather(h1bn, src2, 128)
    out = _tc_layer2(dst_row, ea_p, hs, W2a, ba2, w2flat, b2mat,
                     h1bn, root2p, bias2p, gam2p, bet2p, batch_row,
                     w3p, b3p, w4p, b4b)
    return out[:, 0]

# --- scband reference (transcript-rebuilt; emitter-appended) ---
"""Pipeline reference for scband-mpnn-46162308497548 (READ-ONLY COPY).

The authoritative reference and input builder live on the scoring server;
editing this copy changes nothing except your own understanding.
"""

import jax, jax.numpy as jnp
import numpy as np

N = 2500
E = 10000
G = 128
IN = 32
EC = 16
H1 = 120
H2 = 210


def setup_inputs(seed: int = 0):
    key = jax.random.key(seed)
    ks = jax.random.split(key, 16)

    def nrm(i, shape, s=0.1):
        return jax.random.normal(ks[i], shape, dtype=jnp.float32) * s

    inp = {}
    inp["x"] = jax.random.normal(ks[0], (N, IN), dtype=jnp.float32)
    inp["edge_index"] = jax.random.randint(ks[1], (2, E), 0, N, dtype=jnp.int32)
    inp["edge_attr"] = jax.random.uniform(ks[2], (E, EC), dtype=jnp.float32)
    inp["batch"] = jnp.sort(jax.random.randint(ks[3], (N,), 0, G, dtype=jnp.int32))
    inp["W1a"] = nrm(4, (EC, 32))
    inp["b1a"] = jnp.zeros((32,), jnp.float32)
    inp["W1b"] = nrm(5, (32, IN * H1), 0.05)
    inp["b1b"] = jnp.zeros((IN * H1,), jnp.float32)
    inp["root1"] = nrm(6, (IN, H1))
    inp["bias1"] = jnp.zeros((H1,), jnp.float32)
    inp["gamma1"] = jnp.ones((H1,), jnp.float32)
    inp["beta1"] = jnp.zeros((H1,), jnp.float32)
    inp["W2a"] = nrm(7, (EC, 32))
    inp["b2a"] = jnp.zeros((32,), jnp.float32)
    inp["W2b"] = nrm(8, (32, H1 * H2), 0.05)
    inp["b2b"] = jnp.zeros((H1 * H2,), jnp.float32)
    inp["root2"] = nrm(9, (H1, H2))
    inp["bias2"] = jnp.zeros((H2,), jnp.float32)
    inp["gamma2"] = jnp.ones((H2,), jnp.float32)
    inp["beta2"] = jnp.zeros((H2,), jnp.float32)
    inp["W3"] = nrm(10, (H2, 64))
    inp["b3"] = jnp.zeros((64,), jnp.float32)
    inp["W4"] = nrm(11, (64, 1))
    inp["b4"] = jnp.zeros((1,), jnp.float32)
    return inp


def _nnconv(x, src, dst, edge_attr, Wa, ba, Wb, bb, root, bias, out_ch, n_nodes):
    # edge-conditioned conv (PyG NNConv, aggr='mean')
    h = jnp.maximum(edge_attr @ Wa + ba, 0.0)
    We = (h @ Wb + bb).reshape(-1, x.shape[1], out_ch)
    msg = jnp.einsum('ei,eio->eo', x[src], We)
    s = jax.ops.segment_sum(msg, dst, num_segments=n_nodes)
    cnt = jax.ops.segment_sum(jnp.ones((msg.shape[0],), jnp.float32), dst, num_segments=n_nodes)
    agg = s / jnp.clip(cnt, 1.0)[:, None]
    return agg + x @ root + bias


def _bn(x, gamma, beta, eps=1e-5):
    m = jnp.mean(x, axis=0)
    v = jnp.var(x, axis=0)
    return (x - m) / jnp.sqrt(v + eps) * gamma + beta


def reference(x, edge_index, edge_attr, batch, W1a, b1a, W1b, b1b, root1, bias1, gamma1, beta1, W2a, b2a, W2b, b2b, root2, bias2, gamma2, beta2, W3, b3, W4, b4):
    src, dst = edge_index[0], edge_index[1]
    n = x.shape[0]
    h = jnp.maximum(_nnconv(x, src, dst, edge_attr, W1a, b1a, W1b, b1b, root1, bias1, H1, n), 0.0)
    h = _bn(h, gamma1, beta1)
    h = jnp.maximum(_nnconv(h, src, dst, edge_attr, W2a, b2a, W2b, b2b, root2, bias2, H2, n), 0.0)
    h = _bn(h, gamma2, beta2)
    gs = jax.ops.segment_sum(h, batch, num_segments=G)
    gc = jax.ops.segment_sum(jnp.ones((n,), jnp.float32), batch, num_segments=G)
    g = gs / jnp.clip(gc, 1.0)[:, None]
    g = jnp.maximum(g @ W3 + b3, 0.0)
    # dropout: eval mode (identity) for a deterministic reference
    g = g @ W4 + b4
    return g.squeeze(1)

if __name__ == "__main__":
    import jax
    _d = setup_inputs()
    print(jax.jit(kernel)(*tuple(_d.values())))

</pallas_src>

<mosaic_0001>
#map = affine_map<(d0, d1) -> (0, 0)>
#map1 = affine_map<(d0, d1) -> (0, 0, 0)>
module attributes {stable_mosaic.version = 14 : i64} {
  func.func @k(%arg0: i32, %arg1: i32, %arg2: memref<2560x128xf32, #tpu.memory_space<hbm>>, %arg3: memref<32x5x64xi32, #tpu.memory_space<hbm>>, %arg4: memref<10240x128xf32, #tpu.memory_space<hbm>>, %arg5: memref<5x64xi32, #tpu.memory_space<vmem>>, %arg6: memref<320x128xf32, #tpu.memory_space<vmem>>, %arg7: memref<!tpu.dma_semaphore, #tpu.memory_space<semaphore_mem>>, %arg8: memref<!tpu.dma_semaphore, #tpu.memory_space<semaphore_mem>>) attributes {dimension_semantics = [#tpu.dimension_semantics<core_parallel>, #tpu.dimension_semantics<subcore_parallel>], iteration_bounds = array<i64: 2, 16>, scalar_prefetch = 0 : i64, scratch_operands = 4 : i64, tpu.core_type = #tpu.core_type<sc_vector_subcore>, window_params = [{transform_indices = #map}, {transform_indices = #map1}, {transform_indices = #map}]} {
    %mul3A = arith.constant 2 : i32
    %mul3A_0 = arith.muli %arg1, %mul3A : i32
    %add3A = arith.addi %mul3A_0, %arg0 : i32
    "tpu.region"() ({
      %run_scoped3A = tpu.sem_alloc : memref<!tpu.dma_semaphore, #tpu.memory_space<semaphore_mem>>
      %dma_start3A_229 = arith.constant 0 : i32
      %dma_start3A_230 = arith.constant 0 : i32
      %dma_start3A_231 = tpu.memref_slice %arg3[%add3A, %dma_start3A_229, %dma_start3A_230] : memref<32x5x64xi32, #tpu.memory_space<hbm>> -> memref<1x5x64xi32, #tpu.memory_space<hbm>>
      %dma_start3A_232 = tpu.memref_squeeze %dma_start3A_231 : memref<1x5x64xi32, #tpu.memory_space<hbm>> -> memref<5x64xi32, #tpu.memory_space<hbm>>
      %dma_start3A_233 = arith.constant 0 : i32
      %dma_start3A_234 = arith.constant 0 : i32
      %dma_start3A_235 = tpu.memref_slice %arg3[%add3A, %dma_start3A_233, %dma_start3A_234] : memref<32x5x64xi32, #tpu.memory_space<hbm>> -> memref<1x5x64xi32, #tpu.memory_space<hbm>>
      %dma_start3A_236 = tpu.memref_squeeze %dma_start3A_235 : memref<1x5x64xi32, #tpu.memory_space<hbm>> -> memref<5x64xi32, #tpu.memory_space<hbm>>
      tpu.enqueue_dma source(%dma_start3A_236 : memref<5x64xi32, #tpu.memory_space<hbm>>) target(%arg5 : memref<5x64xi32, #tpu.memory_space<vmem>>) target_semaphore(%run_scoped3A : memref<!tpu.dma_semaphore, #tpu.memory_space<semaphore_mem>>)
      %dma_wait3A_237 = arith.constant 0 : i32
      %dma_wait3A_238 = arith.constant 0 : i32
      %dma_wait3A_239 = tpu.memref_slice %arg3[%add3A, %dma_wait3A_237, %dma_wait3A_238] : memref<32x5x64xi32, #tpu.memory_space<hbm>> -> memref<1x5x64xi32, #tpu.memory_space<hbm>>
      %dma_wait3A_240 = tpu.memref_squeeze %dma_wait3A_239 : memref<1x5x64xi32, #tpu.memory_space<hbm>> -> memref<5x64xi32, #tpu.memory_space<hbm>>
      %dma_wait3A_241 = arith.constant 0 : i32
      %dma_wait3A_242 = arith.constant 0 : i32
      %dma_wait3A_243 = tpu.memref_slice %arg3[%add3A, %dma_wait3A_241, %dma_wait3A_242] : memref<32x5x64xi32, #tpu.memory_space<hbm>> -> memref<1x5x64xi32, #tpu.memory_space<hbm>>
      %dma_wait3A_244 = tpu.memref_squeeze %dma_wait3A_243 : memref<1x5x64xi32, #tpu.memory_space<hbm>> -> memref<5x64xi32, #tpu.memory_space<hbm>>
      tpu.wait_dma2 semaphore(%run_scoped3A : memref<!tpu.dma_semaphore, #tpu.memory_space<semaphore_mem>>) src(%dma_wait3A_244 : memref<5x64xi32, #tpu.memory_space<hbm>>) dst(%arg5 : memref<5x64xi32, #tpu.memory_space<vmem>>)
      tpu.yield
    }) : () -> ()
    %dma_start3A = arith.constant 0 : i32
    %dma_start3A_1 = arith.constant 0 : i32
    %dma_start3A_2 = arith.constant 0 : i32
    %dma_start3A_3 = tpu.memref_slice %arg6[%dma_start3A_1, %dma_start3A_2] : memref<320x128xf32, #tpu.memory_space<vmem>> -> memref<64x128xf32, #tpu.memory_space<vmem>>
    %dma_start3A_4 = arith.constant 0 : i32
    %dma_start3A_5 = tpu.memref_slice %arg5[%dma_start3A, %dma_start3A_4] : memref<5x64xi32, #tpu.memory_space<vmem>> -> memref<1x64xi32, #tpu.memory_space<vmem>>
    %dma_start3A_6 = tpu.memref_squeeze %dma_start3A_5 : memref<1x64xi32, #tpu.memory_space<vmem>> -> memref<64xi32, #tpu.memory_space<vmem>>
    %dma_start3A_7 = arith.constant 0 : i32
    %dma_start3A_8 = arith.constant 0 : i32
    %dma_start3A_9 = tpu.memref_slice %arg2[%dma_start3A_7, %dma_start3A_8] : memref<2560x128xf32, #tpu.memory_space<hbm>> -> memref<2560x128xf32, #tpu.memory_space<hbm>>
    tpu.enqueue_indirect_dma source(%dma_start3A_9 : memref<2560x128xf32, #tpu.memory_space<hbm>>) target(%dma_start3A_3 : memref<64x128xf32, #tpu.memory_space<vmem>>) offsets(%dma_start3A_6 : memref<64xi32, #tpu.memory_space<vmem>>) semaphore(%arg7 : memref<!tpu.dma_semaphore, #tpu.memory_space<semaphore_mem>>)
    %dma_start3A_10 = arith.constant 1 : i32
    %dma_start3A_11 = arith.constant 64 : i32
    %dma_start3A_12 = arith.constant 0 : i32
    %dma_start3A_13 = tpu.memref_slice %arg6[%dma_start3A_11, %dma_start3A_12] : memref<320x128xf32, #tpu.memory_space<vmem>> -> memref<64x128xf32, #tpu.memory_space<vmem>>
    %dma_start3A_14 = arith.constant 0 : i32
    %dma_start3A_15 = tpu.memref_slice %arg5[%dma_start3A_10, %dma_start3A_14] : memref<5x64xi32, #tpu.memory_space<vmem>> -> memref<1x64xi32, #tpu.memory_space<vmem>>
    %dma_start3A_16 = tpu.memref_squeeze %dma_start3A_15 : memref<1x64xi32, #tpu.memory_space<vmem>> -> memref<64xi32, #tpu.memory_space<vmem>>
    %dma_start3A_17 = arith.constant 0 : i32
    %dma_start3A_18 = arith.constant 0 : i32
    %dma_start3A_19 = tpu.memref_slice %arg2[%dma_start3A_17, %dma_start3A_18] : memref<2560x128xf32, #tpu.memory_space<hbm>> -> memref<2560x128xf32, #tpu.memory_space<hbm>>
    tpu.enqueue_indirect_dma source(%dma_start3A_19 : memref<2560x128xf32, #tpu.memory_space<hbm>>) target(%dma_start3A_13 : memref<64x128xf32, #tpu.memory_space<vmem>>) offsets(%dma_start3A_16 : memref<64xi32, #tpu.memory_space<vmem>>) semaphore(%arg7 : memref<!tpu.dma_semaphore, #tpu.memory_space<semaphore_mem>>)
    %dma_start3A_20 = arith.constant 2 : i32
    %dma_start3A_21 = arith.constant 128 : i32
    %dma_start3A_22 = arith.constant 0 : i32
    %dma_start3A_23 = tpu.memref_slice %arg6[%dma_start3A_21, %dma_start3A_22] : memref<320x128xf32, #tpu.memory_space<vmem>> -> memref<64x128xf32, #tpu.memory_space<vmem>>
    %dma_start3A_24 = arith.constant 0 : i32
    %dma_start3A_25 = tpu.memref_slice %arg5[%dma_start3A_20, %dma_start3A_24] : memref<5x64xi32, #tpu.memory_space<vmem>> -> memref<1x64xi32, #tpu.memory_space<vmem>>
    %dma_start3A_26 = tpu.memref_squeeze %dma_start3A_25 : memref<1x64xi32, #tpu.memory_space<vmem>> -> memref<64xi32, #tpu.memory_space<vmem>>
    %dma_start3A_27 = arith.constant 0 : i32
    %dma_start3A_28 = arith.constant 0 : i32
    %dma_start3A_29 = tpu.memref_slice %arg2[%dma_start3A_27, %dma_start3A_28] : memref<2560x128xf32, #tpu.memory_space<hbm>> -> memref<2560x128xf32, #tpu.memory_space<hbm>>
    tpu.enqueue_indirect_dma source(%dma_start3A_29 : memref<2560x128xf32, #tpu.memory_space<hbm>>) target(%dma_start3A_23 : memref<64x128xf32, #tpu.memory_space<vmem>>) offsets(%dma_start3A_26 : memref<64xi32, #tpu.memory_space<vmem>>) semaphore(%arg7 : memref<!tpu.dma_semaphore, #tpu.memory_space<semaphore_mem>>)
    %dma_start3A_30 = arith.constant 3 : i32
    %dma_start3A_31 = arith.constant 192 : i32
    %dma_start3A_32 = arith.constant 0 : i32
    %dma_start3A_33 = tpu.memref_slice %arg6[%dma_start3A_31, %dma_start3A_32] : memref<320x128xf32, #tpu.memory_space<vmem>> -> memref<64x128xf32, #tpu.memory_space<vmem>>
    %dma_start3A_34 = arith.constant 0 : i32
    %dma_start3A_35 = tpu.memref_slice %arg5[%dma_start3A_30, %dma_start3A_34] : memref<5x64xi32, #tpu.memory_space<vmem>> -> memref<1x64xi32, #tpu.memory_space<vmem>>
    %dma_start3A_36 = tpu.memref_squeeze %dma_start3A_35 : memref<1x64xi32, #tpu.memory_space<vmem>> -> memref<64xi32, #tpu.memory_space<vmem>>
    %dma_start3A_37 = arith.constant 0 : i32
    %dma_start3A_38 = arith.constant 0 : i32
    %dma_start3A_39 = tpu.memref_slice %arg2[%dma_start3A_37, %dma_start3A_38] : memref<2560x128xf32, #tpu.memory_space<hbm>> -> memref<2560x128xf32, #tpu.memory_space<hbm>>
    tpu.enqueue_indirect_dma source(%dma_start3A_39 : memref<2560x128xf32, #tpu.memory_space<hbm>>) target(%dma_start3A_33 : memref<64x128xf32, #tpu.memory_space<vmem>>) offsets(%dma_start3A_36 : memref<64xi32, #tpu.memory_space<vmem>>) semaphore(%arg7 : memref<!tpu.dma_semaphore, #tpu.memory_space<semaphore_mem>>)
    %dma_start3A_40 = arith.constant 4 : i32
    %dma_start3A_41 = arith.constant 256 : i32
    %dma_start3A_42 = arith.constant 0 : i32
    %dma_start3A_43 = tpu.memref_slice %arg6[%dma_start3A_41, %dma_start3A_42] : memref<320x128xf32, #tpu.memory_space<vmem>> -> memref<64x128xf32, #tpu.memory_space<vmem>>
    %dma_start3A_44 = arith.constant 0 : i32
    %dma_start3A_45 = tpu.memref_slice %arg5[%dma_start3A_40, %dma_start3A_44] : memref<5x64xi32, #tpu.memory_space<vmem>> -> memref<1x64xi32, #tpu.memory_space<vmem>>
    %dma_start3A_46 = tpu.memref_squeeze %dma_start3A_45 : memref<1x64xi32, #tpu.memory_space<vmem>> -> memref<64xi32, #tpu.memory_space<vmem>>
    %dma_start3A_47 = arith.constant 0 : i32
    %dma_start3A_48 = arith.constant 0 : i32
    %dma_start3A_49 = tpu.memref_slice %arg2[%dma_start3A_47, %dma_start3A_48] : memref<2560x128xf32, #tpu.memory_space<hbm>> -> memref<2560x128xf32, #tpu.memory_space<hbm>>
    tpu.enqueue_indirect_dma source(%dma_start3A_49 : memref<2560x128xf32, #tpu.memory_space<hbm>>) target(%dma_start3A_43 : memref<64x128xf32, #tpu.memory_space<vmem>>) offsets(%dma_start3A_46 : memref<64xi32, #tpu.memory_space<vmem>>) semaphore(%arg7 : memref<!tpu.dma_semaphore, #tpu.memory_space<semaphore_mem>>)
    %dma_wait3A = arith.constant 0 : i32
    %dma_wait3A_50 = arith.constant 0 : i32
    %dma_wait3A_51 = arith.constant 0 : i32
    %dma_wait3A_52 = tpu.memref_slice %arg6[%dma_wait3A_50, %dma_wait3A_51] : memref<320x128xf32, #tpu.memory_space<vmem>> -> memref<64x128xf32, #tpu.memory_space<vmem>>
    %dma_wait3A_53 = arith.constant 0 : i32
    %dma_wait3A_54 = tpu.memref_slice %arg5[%dma_wait3A, %dma_wait3A_53] : memref<5x64xi32, #tpu.memory_space<vmem>> -> memref<1x64xi32, #tpu.memory_space<vmem>>
    %dma_wait3A_55 = tpu.memref_squeeze %dma_wait3A_54 : memref<1x64xi32, #tpu.memory_space<vmem>> -> memref<64xi32, #tpu.memory_space<vmem>>
    %dma_wait3A_56 = arith.constant 0 : i32
    %dma_wait3A_57 = arith.constant 0 : i32
    %dma_wait3A_58 = tpu.memref_slice %arg2[%dma_wait3A_56, %dma_wait3A_57] : memref<2560x128xf32, #tpu.memory_space<hbm>> -> memref<2560x128xf32, #tpu.memory_space<hbm>>
    tpu.wait_indirect_dma semaphore(%arg7 : memref<!tpu.dma_semaphore, #tpu.memory_space<semaphore_mem>>) src(%dma_wait3A_58 : memref<2560x128xf32, #tpu.memory_space<hbm>>) dst(%dma_wait3A_52 : memref<64x128xf32, #tpu.memory_space<vmem>>)
    %mul3A_59 = arith.constant 5 : i32
    %mul3A_60 = arith.muli %add3A, %mul3A_59 : i32
    %add3A_61 = arith.constant 0 : i32
    %add3A_62 = arith.addi %mul3A_60, %add3A_61 : i32
    %mul3A_63 = arith.constant 64 : i32
    %mul3A_64 = arith.muli %add3A_62, %mul3A_63 : i32
    %dma_start3A_65 = arith.constant 0 : i32
    %dma_start3A_66 = arith.constant 0 : i32
    %dma_start3A_67 = tpu.memref_slice %arg6[%dma_start3A_65, %dma_start3A_66] : memref<320x128xf32, #tpu.memory_space<vmem>> -> memref<64x128xf32, #tpu.memory_space<vmem>>
    %dma_start3A_68 = arith.constant 0 : i32
    %dma_start3A_69 = tpu.memref_slice %arg4[%mul3A_64, %dma_start3A_68] : memref<10240x128xf32, #tpu.memory_space<hbm>> -> memref<64x128xf32, #tpu.memory_space<hbm>>
    %dma_start3A_70 = arith.constant 0 : i32
    %dma_start3A_71 = tpu.memref_slice %arg4[%mul3A_64, %dma_start3A_70] : memref<10240x128xf32, #tpu.memory_space<hbm>> -> memref<64x128xf32, #tpu.memory_space<hbm>>
    %dma_start3A_72 = arith.constant 0 : i32
    %dma_start3A_73 = arith.constant 0 : i32
    %dma_start3A_74 = tpu.memref_slice %arg6[%dma_start3A_72, %dma_start3A_73] : memref<320x128xf32, #tpu.memory_space<vmem>> -> memref<64x128xf32, #tpu.memory_space<vmem>>
    tpu.enqueue_dma source(%dma_start3A_74 : memref<64x128xf32, #tpu.memory_space<vmem>>) target(%dma_start3A_71 : memref<64x128xf32, #tpu.memory_space<hbm>>) target_semaphore(%arg8 : memref<!tpu.dma_semaphore, #tpu.memory_space<semaphore_mem>>)
    %dma_wait3A_75 = arith.constant 1 : i32
    %dma_wait3A_76 = arith.constant 64 : i32
    %dma_wait3A_77 = arith.constant 0 : i32
    %dma_wait3A_78 = tpu.memref_slice %arg6[%dma_wait3A_76, %dma_wait3A_77] : memref<320x128xf32, #tpu.memory_space<vmem>> -> memref<64x128xf32, #tpu.memory_space<vmem>>
    %dma_wait3A_79 = arith.constant 0 : i32
    %dma_wait3A_80 = tpu.memref_slice %arg5[%dma_wait3A_75, %dma_wait3A_79] : memref<5x64xi32, #tpu.memory_space<vmem>> -> memref<1x64xi32, #tpu.memory_space<vmem>>
    %dma_wait3A_81 = tpu.memref_squeeze %dma_wait3A_80 : memref<1x64xi32, #tpu.memory_space<vmem>> -> memref<64xi32, #tpu.memory_space<vmem>>
    %dma_wait3A_82 = arith.constant 0 : i32
    %dma_wait3A_83 = arith.constant 0 : i32
    %dma_wait3A_84 = tpu.memref_slice %arg2[%dma_wait3A_82, %dma_wait3A_83] : memref<2560x128xf32, #tpu.memory_space<hbm>> -> memref<2560x128xf32, #tpu.memory_space<hbm>>
    tpu.wait_indirect_dma semaphore(%arg7 : memref<!tpu.dma_semaphore, #tpu.memory_space<semaphore_mem>>) src(%dma_wait3A_84 : memref<2560x128xf32, #tpu.memory_space<hbm>>) dst(%dma_wait3A_78 : memref<64x128xf32, #tpu.memory_space<vmem>>)
    %mul3A_85 = arith.constant 5 : i32
    %mul3A_86 = arith.muli %add3A, %mul3A_85 : i32
    %add3A_87 = arith.constant 1 : i32
    %add3A_88 = arith.addi %mul3A_86, %add3A_87 : i32
    %mul3A_89 = arith.constant 64 : i32
    %mul3A_90 = arith.muli %add3A_88, %mul3A_89 : i32
    %dma_start3A_91 = arith.constant 64 : i32
    %dma_start3A_92 = arith.constant 0 : i32
    %dma_start3A_93 = tpu.memref_slice %arg6[%dma_start3A_91, %dma_start3A_92] : memref<320x128xf32, #tpu.memory_space<vmem>> -> memref<64x128xf32, #tpu.memory_space<vmem>>
    %dma_start3A_94 = arith.constant 0 : i32
    %dma_start3A_95 = tpu.memref_slice %arg4[%mul3A_90, %dma_start3A_94] : memref<10240x128xf32, #tpu.memory_space<hbm>> -> memref<64x128xf32, #tpu.memory_space<hbm>>
    %dma_start3A_96 = arith.constant 0 : i32
    %dma_start3A_97 = tpu.memref_slice %arg4[%mul3A_90, %dma_start3A_96] : memref<10240x128xf32, #tpu.memory_space<hbm>> -> memref<64x128xf32, #tpu.memory_space<hbm>>
    %dma_start3A_98 = arith.constant 64 : i32
    %dma_start3A_99 = arith.constant 0 : i32
    %dma_start3A_100 = tpu.memref_slice %arg6[%dma_start3A_98, %dma_start3A_99] : memref<320x128xf32, #tpu.memory_space<vmem>> -> memref<64x128xf32, #tpu.memory_space<vmem>>
    tpu.enqueue_dma source(%dma_start3A_100 : memref<64x128xf32, #tpu.memory_space<vmem>>) target(%dma_start3A_97 : memref<64x128xf32, #tpu.memory_space<hbm>>) target_semaphore(%arg8 : memref<!tpu.dma_semaphore, #tpu.memory_space<semaphore_mem>>)
    %dma_wait3A_101 = arith.constant 2 : i32
    %dma_wait3A_102 = arith.constant 128 : i32
    %dma_wait3A_103 = arith.constant 0 : i32
    %dma_wait3A_104 = tpu.memref_slice %arg6[%dma_wait3A_102, %dma_wait3A_103] : memref<320x128xf32, #tpu.memory_space<vmem>> -> memref<64x128xf32, #tpu.memory_space<vmem>>
    %dma_wait3A_105 = arith.constant 0 : i32
    %dma_wait3A_106 = tpu.memref_slice %arg5[%dma_wait3A_101, %dma_wait3A_105] : memref<5x64xi32, #tpu.memory_space<vmem>> -> memref<1x64xi32, #tpu.memory_space<vmem>>
    %dma_wait3A_107 = tpu.memref_squeeze %dma_wait3A_106 : memref<1x64xi32, #tpu.memory_space<vmem>> -> memref<64xi32, #tpu.memory_space<vmem>>
    %dma_wait3A_108 = arith.constant 0 : i32
    %dma_wait3A_109 = arith.constant 0 : i32
    %dma_wait3A_110 = tpu.memref_slice %arg2[%dma_wait3A_108, %dma_wait3A_109] : memref<2560x128xf32, #tpu.memory_space<hbm>> -> memref<2560x128xf32, #tpu.memory_space<hbm>>
    tpu.wait_indirect_dma semaphore(%arg7 : memref<!tpu.dma_semaphore, #tpu.memory_space<semaphore_mem>>) src(%dma_wait3A_110 : memref<2560x128xf32, #tpu.memory_space<hbm>>) dst(%dma_wait3A_104 : memref<64x128xf32, #tpu.memory_space<vmem>>)
    %mul3A_111 = arith.constant 5 : i32
    %mul3A_112 = arith.muli %add3A, %mul3A_111 : i32
    %add3A_113 = arith.constant 2 : i32
    %add3A_114 = arith.addi %mul3A_112, %add3A_113 : i32
    %mul3A_115 = arith.constant 64 : i32
    %mul3A_116 = arith.muli %add3A_114, %mul3A_115 : i32
    %dma_start3A_117 = arith.constant 128 : i32
    %dma_start3A_118 = arith.constant 0 : i32
    %dma_start3A_119 = tpu.memref_slice %arg6[%dma_start3A_117, %dma_start3A_118] : memref<320x128xf32, #tpu.memory_space<vmem>> -> memref<64x128xf32, #tpu.memory_space<vmem>>
    %dma_start3A_120 = arith.constant 0 : i32
    %dma_start3A_121 = tpu.memref_slice %arg4[%mul3A_116, %dma_start3A_120] : memref<10240x128xf32, #tpu.memory_space<hbm>> -> memref<64x128xf32, #tpu.memory_space<hbm>>
    %dma_start3A_122 = arith.constant 0 : i32
    %dma_start3A_123 = tpu.memref_slice %arg4[%mul3A_116, %dma_start3A_122] : memref<10240x128xf32, #tpu.memory_space<hbm>> -> memref<64x128xf32, #tpu.memory_space<hbm>>
    %dma_start3A_124 = arith.constant 128 : i32
    %dma_start3A_125 = arith.constant 0 : i32
    %dma_start3A_126 = tpu.memref_slice %arg6[%dma_start3A_124, %dma_start3A_125] : memref<320x128xf32, #tpu.memory_space<vmem>> -> memref<64x128xf32, #tpu.memory_space<vmem>>
    tpu.enqueue_dma source(%dma_start3A_126 : memref<64x128xf32, #tpu.memory_space<vmem>>) target(%dma_start3A_123 : memref<64x128xf32, #tpu.memory_space<hbm>>) target_semaphore(%arg8 : memref<!tpu.dma_semaphore, #tpu.memory_space<semaphore_mem>>)
    %dma_wait3A_127 = arith.constant 3 : i32
    %dma_wait3A_128 = arith.constant 192 : i32
    %dma_wait3A_129 = arith.constant 0 : i32
    %dma_wait3A_130 = tpu.memref_slice %arg6[%dma_wait3A_128, %dma_wait3A_129] : memref<320x128xf32, #tpu.memory_space<vmem>> -> memref<64x128xf32, #tpu.memory_space<vmem>>
    %dma_wait3A_131 = arith.constant 0 : i32
    %dma_wait3A_132 = tpu.memref_slice %arg5[%dma_wait3A_127, %dma_wait3A_131] : memref<5x64xi32, #tpu.memory_space<vmem>> -> memref<1x64xi32, #tpu.memory_space<vmem>>
    %dma_wait3A_133 = tpu.memref_squeeze %dma_wait3A_132 : memref<1x64xi32, #tpu.memory_space<vmem>> -> memref<64xi32, #tpu.memory_space<vmem>>
    %dma_wait3A_134 = arith.constant 0 : i32
    %dma_wait3A_135 = arith.constant 0 : i32
    %dma_wait3A_136 = tpu.memref_slice %arg2[%dma_wait3A_134, %dma_wait3A_135] : memref<2560x128xf32, #tpu.memory_space<hbm>> -> memref<2560x128xf32, #tpu.memory_space<hbm>>
    tpu.wait_indirect_dma semaphore(%arg7 : memref<!tpu.dma_semaphore, #tpu.memory_space<semaphore_mem>>) src(%dma_wait3A_136 : memref<2560x128xf32, #tpu.memory_space<hbm>>) dst(%dma_wait3A_130 : memref<64x128xf32, #tpu.memory_space<vmem>>)
    %mul3A_137 = arith.constant 5 : i32
    %mul3A_138 = arith.muli %add3A, %mul3A_137 : i32
    %add3A_139 = arith.constant 3 : i32
    %add3A_140 = arith.addi %mul3A_138, %add3A_139 : i32
    %mul3A_141 = arith.constant 64 : i32
    %mul3A_142 = arith.muli %add3A_140, %mul3A_141 : i32
    %dma_start3A_143 = arith.constant 192 : i32
    %dma_start3A_144 = arith.constant 0 : i32
    %dma_start3A_145 = tpu.memref_slice %arg6[%dma_start3A_143, %dma_start3A_144] : memref<320x128xf32, #tpu.memory_space<vmem>> -> memref<64x128xf32, #tpu.memory_space<vmem>>
    %dma_start3A_146 = arith.constant 0 : i32
    %dma_start3A_147 = tpu.memref_slice %arg4[%mul3A_142, %dma_start3A_146] : memref<10240x128xf32, #tpu.memory_space<hbm>> -> memref<64x128xf32, #tpu.memory_space<hbm>>
    %dma_start3A_148 = arith.constant 0 : i32
    %dma_start3A_149 = tpu.memref_slice %arg4[%mul3A_142, %dma_start3A_148] : memref<10240x128xf32, #tpu.memory_space<hbm>> -> memref<64x128xf32, #tpu.memory_space<hbm>>
    %dma_start3A_150 = arith.constant 192 : i32
    %dma_start3A_151 = arith.constant 0 : i32
    %dma_start3A_152 = tpu.memref_slice %arg6[%dma_start3A_150, %dma_start3A_151] : memref<320x128xf32, #tpu.memory_space<vmem>> -> memref<64x128xf32, #tpu.memory_space<vmem>>
    tpu.enqueue_dma source(%dma_start3A_152 : memref<64x128xf32, #tpu.memory_space<vmem>>) target(%dma_start3A_149 : memref<64x128xf32, #tpu.memory_space<hbm>>) target_semaphore(%arg8 : memref<!tpu.dma_semaphore, #tpu.memory_space<semaphore_mem>>)
    %dma_wait3A_153 = arith.constant 4 : i32
    %dma_wait3A_154 = arith.constant 256 : i32
    %dma_wait3A_155 = arith.constant 0 : i32
    %dma_wait3A_156 = tpu.memref_slice %arg6[%dma_wait3A_154, %dma_wait3A_155] : memref<320x128xf32, #tpu.memory_space<vmem>> -> memref<64x128xf32, #tpu.memory_space<vmem>>
    %dma_wait3A_157 = arith.constant 0 : i32
    %dma_wait3A_158 = tpu.memref_slice %arg5[%dma_wait3A_153, %dma_wait3A_157] : memref<5x64xi32, #tpu.memory_space<vmem>> -> memref<1x64xi32, #tpu.memory_space<vmem>>
    %dma_wait3A_159 = tpu.memref_squeeze %dma_wait3A_158 : memref<1x64xi32, #tpu.memory_space<vmem>> -> memref<64xi32, #tpu.memory_space<vmem>>
    %dma_wait3A_160 = arith.constant 0 : i32
    %dma_wait3A_161 = arith.constant 0 : i32
    %dma_wait3A_162 = tpu.memref_slice %arg2[%dma_wait3A_160, %dma_wait3A_161] : memref<2560x128xf32, #tpu.memory_space<hbm>> -> memref<2560x128xf32, #tpu.memory_space<hbm>>
    tpu.wait_indirect_dma semaphore(%arg7 : memref<!tpu.dma_semaphore, #tpu.memory_space<semaphore_mem>>) src(%dma_wait3A_162 : memref<2560x128xf32, #tpu.memory_space<hbm>>) dst(%dma_wait3A_156 : memref<64x128xf32, #tpu.memory_space<vmem>>)
    %mul3A_163 = arith.constant 5 : i32
    %mul3A_164 = arith.muli %add3A, %mul3A_163 : i32
    %add3A_165 = arith.constant 4 : i32
    %add3A_166 = arith.addi %mul3A_164, %add3A_165 : i32
    %mul3A_167 = arith.constant 64 : i32
    %mul3A_168 = arith.muli %add3A_166, %mul3A_167 : i32
    %dma_start3A_169 = arith.constant 256 : i32
    %dma_start3A_170 = arith.constant 0 : i32
    %dma_start3A_171 = tpu.memref_slice %arg6[%dma_start3A_169, %dma_start3A_170] : memref<320x128xf32, #tpu.memory_space<vmem>> -> memref<64x128xf32, #tpu.memory_space<vmem>>
    %dma_start3A_172 = arith.constant 0 : i32
    %dma_start3A_173 = tpu.memref_slice %arg4[%mul3A_168, %dma_start3A_172] : memref<10240x128xf32, #tpu.memory_space<hbm>> -> memref<64x128xf32, #tpu.memory_space<hbm>>
    %dma_start3A_174 = arith.constant 0 : i32
    %dma_start3A_175 = tpu.memref_slice %arg4[%mul3A_168, %dma_start3A_174] : memref<10240x128xf32, #tpu.memory_space<hbm>> -> memref<64x128xf32, #tpu.memory_space<hbm>>
    %dma_start3A_176 = arith.constant 256 : i32
    %dma_start3A_177 = arith.constant 0 : i32
    %dma_start3A_178 = tpu.memref_slice %arg6[%dma_start3A_176, %dma_start3A_177] : memref<320x128xf32, #tpu.memory_space<vmem>> -> memref<64x128xf32, #tpu.memory_space<vmem>>
    tpu.enqueue_dma source(%dma_start3A_178 : memref<64x128xf32, #tpu.memory_space<vmem>>) target(%dma_start3A_175 : memref<64x128xf32, #tpu.memory_space<hbm>>) target_semaphore(%arg8 : memref<!tpu.dma_semaphore, #tpu.memory_space<semaphore_mem>>)
    %dma_wait3A_179 = arith.constant 0 : i32
    %dma_wait3A_180 = arith.constant 0 : i32
    %dma_wait3A_181 = tpu.memref_slice %arg6[%dma_wait3A_179, %dma_wait3A_180] : memref<320x128xf32, #tpu.memory_space<vmem>> -> memref<64x128xf32, #tpu.memory_space<vmem>>
    %dma_wait3A_182 = arith.constant 0 : i32
    %dma_wait3A_183 = tpu.memref_slice %arg4[%mul3A_64, %dma_wait3A_182] : memref<10240x128xf32, #tpu.memory_space<hbm>> -> memref<64x128xf32, #tpu.memory_space<hbm>>
    %dma_wait3A_184 = arith.constant 0 : i32
    %dma_wait3A_185 = tpu.memref_slice %arg4[%mul3A_64, %dma_wait3A_184] : memref<10240x128xf32, #tpu.memory_space<hbm>> -> memref<64x128xf32, #tpu.memory_space<hbm>>
    %dma_wait3A_186 = arith.constant 0 : i32
    %dma_wait3A_187 = arith.constant 0 : i32
    %dma_wait3A_188 = tpu.memref_slice %arg6[%dma_wait3A_186, %dma_wait3A_187] : memref<320x128xf32, #tpu.memory_space<vmem>> -> memref<64x128xf32, #tpu.memory_space<vmem>>
    tpu.wait_dma2 semaphore(%arg8 : memref<!tpu.dma_semaphore, #tpu.memory_space<semaphore_mem>>) src(%dma_wait3A_188 : memref<64x128xf32, #tpu.memory_space<vmem>>) dst(%dma_wait3A_185 : memref<64x128xf32, #tpu.memory_space<hbm>>)
    %dma_wait3A_189 = arith.constant 64 : i32
    %dma_wait3A_190 = arith.constant 0 : i32
    %dma_wait3A_191 = tpu.memref_slice %arg6[%dma_wait3A_189, %dma_wait3A_190] : memref<320x128xf32, #tpu.memory_space<vmem>> -> memref<64x128xf32, #tpu.memory_space<vmem>>
    %dma_wait3A_192 = arith.constant 0 : i32
    %dma_wait3A_193 = tpu.memref_slice %arg4[%mul3A_90, %dma_wait3A_192] : memref<10240x128xf32, #tpu.memory_space<hbm>> -> memref<64x128xf32, #tpu.memory_space<hbm>>
    %dma_wait3A_194 = arith.constant 0 : i32
    %dma_wait3A_195 = tpu.memref_slice %arg4[%mul3A_90, %dma_wait3A_194] : memref<10240x128xf32, #tpu.memory_space<hbm>> -> memref<64x128xf32, #tpu.memory_space<hbm>>
    %dma_wait3A_196 = arith.constant 64 : i32
    %dma_wait3A_197 = arith.constant 0 : i32
    %dma_wait3A_198 = tpu.memref_slice %arg6[%dma_wait3A_196, %dma_wait3A_197] : memref<320x128xf32, #tpu.memory_space<vmem>> -> memref<64x128xf32, #tpu.memory_space<vmem>>
    tpu.wait_dma2 semaphore(%arg8 : memref<!tpu.dma_semaphore, #tpu.memory_space<semaphore_mem>>) src(%dma_wait3A_198 : memref<64x128xf32, #tpu.memory_space<vmem>>) dst(%dma_wait3A_195 : memref<64x128xf32, #tpu.memory_space<hbm>>)
    %dma_wait3A_199 = arith.constant 128 : i32
    %dma_wait3A_200 = arith.constant 0 : i32
    %dma_wait3A_201 = tpu.memref_slice %arg6[%dma_wait3A_199, %dma_wait3A_200] : memref<320x128xf32, #tpu.memory_space<vmem>> -> memref<64x128xf32, #tpu.memory_space<vmem>>
    %dma_wait3A_202 = arith.constant 0 : i32
    %dma_wait3A_203 = tpu.memref_slice %arg4[%mul3A_116, %dma_wait3A_202] : memref<10240x128xf32, #tpu.memory_space<hbm>> -> memref<64x128xf32, #tpu.memory_space<hbm>>
    %dma_wait3A_204 = arith.constant 0 : i32
    %dma_wait3A_205 = tpu.memref_slice %arg4[%mul3A_116, %dma_wait3A_204] : memref<10240x128xf32, #tpu.memory_space<hbm>> -> memref<64x128xf32, #tpu.memory_space<hbm>>
    %dma_wait3A_206 = arith.constant 128 : i32
    %dma_wait3A_207 = arith.constant 0 : i32
    %dma_wait3A_208 = tpu.memref_slice %arg6[%dma_wait3A_206, %dma_wait3A_207] : memref<320x128xf32, #tpu.memory_space<vmem>> -> memref<64x128xf32, #tpu.memory_space<vmem>>
    tpu.wait_dma2 semaphore(%arg8 : memref<!tpu.dma_semaphore, #tpu.memory_space<semaphore_mem>>) src(%dma_wait3A_208 : memref<64x128xf32, #tpu.memory_space<vmem>>) dst(%dma_wait3A_205 : memref<64x128xf32, #tpu.memory_space<hbm>>)
    %dma_wait3A_209 = arith.constant 192 : i32
    %dma_wait3A_210 = arith.constant 0 : i32
    %dma_wait3A_211 = tpu.memref_slice %arg6[%dma_wait3A_209, %dma_wait3A_210] : memref<320x128xf32, #tpu.memory_space<vmem>> -> memref<64x128xf32, #tpu.memory_space<vmem>>
    %dma_wait3A_212 = arith.constant 0 : i32
    %dma_wait3A_213 = tpu.memref_slice %arg4[%mul3A_142, %dma_wait3A_212] : memref<10240x128xf32, #tpu.memory_space<hbm>> -> memref<64x128xf32, #tpu.memory_space<hbm>>
    %dma_wait3A_214 = arith.constant 0 : i32
    %dma_wait3A_215 = tpu.memref_slice %arg4[%mul3A_142, %dma_wait3A_214] : memref<10240x128xf32, #tpu.memory_space<hbm>> -> memref<64x128xf32, #tpu.memory_space<hbm>>
    %dma_wait3A_216 = arith.constant 192 : i32
    %dma_wait3A_217 = arith.constant 0 : i32
    %dma_wait3A_218 = tpu.memref_slice %arg6[%dma_wait3A_216, %dma_wait3A_217] : memref<320x128xf32, #tpu.memory_space<vmem>> -> memref<64x128xf32, #tpu.memory_space<vmem>>
    tpu.wait_dma2 semaphore(%arg8 : memref<!tpu.dma_semaphore, #tpu.memory_space<semaphore_mem>>) src(%dma_wait3A_218 : memref<64x128xf32, #tpu.memory_space<vmem>>) dst(%dma_wait3A_215 : memref<64x128xf32, #tpu.memory_space<hbm>>)
    %dma_wait3A_219 = arith.constant 256 : i32
    %dma_wait3A_220 = arith.constant 0 : i32
    %dma_wait3A_221 = tpu.memref_slice %arg6[%dma_wait3A_219, %dma_wait3A_220] : memref<320x128xf32, #tpu.memory_space<vmem>> -> memref<64x128xf32, #tpu.memory_space<vmem>>
    %dma_wait3A_222 = arith.constant 0 : i32
    %dma_wait3A_223 = tpu.memref_slice %arg4[%mul3A_168, %dma_wait3A_222] : memref<10240x128xf32, #tpu.memory_space<hbm>> -> memref<64x128xf32, #tpu.memory_space<hbm>>
    %dma_wait3A_224 = arith.constant 0 : i32
    %dma_wait3A_225 = tpu.memref_slice %arg4[%mul3A_168, %dma_wait3A_224] : memref<10240x128xf32, #tpu.memory_space<hbm>> -> memref<64x128xf32, #tpu.memory_space<hbm>>
    %dma_wait3A_226 = arith.constant 256 : i32
    %dma_wait3A_227 = arith.constant 0 : i32
    %dma_wait3A_228 = tpu.memref_slice %arg6[%dma_wait3A_226, %dma_wait3A_227] : memref<320x128xf32, #tpu.memory_space<vmem>> -> memref<64x128xf32, #tpu.memory_space<vmem>>
    tpu.wait_dma2 semaphore(%arg8 : memref<!tpu.dma_semaphore, #tpu.memory_space<semaphore_mem>>) src(%dma_wait3A_228 : memref<64x128xf32, #tpu.memory_space<vmem>>) dst(%dma_wait3A_225 : memref<64x128xf32, #tpu.memory_space<hbm>>)
    return
  }
}

#map = affine_map<(d0, d1) -> (0, 0)>
#map1 = affine_map<(d0, d1) -> (0, 0, 0)>
module attributes {stable_mosaic.version = 14 : i64} {
  func.func @k(%arg0: i32, %arg1: i32, %arg2: memref<2560x128xf32, #tpu.memory_space<hbm>>, %arg3: memref<32x5x64xi32, #tpu.memory_space<hbm>>, %arg4: memref<10240x128xf32, #tpu.memory_space<hbm>>, %arg5: memref<5x64xi32, #tpu.memory_space<vmem>>, %arg6: memref<320x128xf32, #tpu.memory_space<vmem>>, %arg7: memref<!tpu.dma_semaphore, #tpu.memory_space<semaphore_mem>>, %arg8: memref<!tpu.dma_semaphore, #tpu.memory_space<semaphore_mem>>) attributes {dimension_semantics = [#tpu.dimension_semantics<core_parallel>, #tpu.dimension_semantics<subcore_parallel>], iteration_bounds = array<i64: 2, 16>, scalar_prefetch = 0 : i64, scratch_operands = 4 : i64, tpu.core_type = #tpu.core_type<sc_vector_subcore>, window_params = [{transform_indices = #map}, {transform_indices = #map1}, {transform_indices = #map}]} {
    %mul3A = arith.constant 2 : i32
    %mul3A_0 = arith.muli %arg1, %mul3A : i32
    %add3A = arith.addi %mul3A_0, %arg0 : i32
    "tpu.region"() ({
      %run_scoped3A = tpu.sem_alloc : memref<!tpu.dma_semaphore, #tpu.memory_space<semaphore_mem>>
      %dma_start3A_229 = arith.constant 0 : i32
      %dma_start3A_230 = arith.constant 0 : i32
      %dma_start3A_231 = tpu.memref_slice %arg3[%add3A, %dma_start3A_229, %dma_start3A_230] : memref<32x5x64xi32, #tpu.memory_space<hbm>> -> memref<1x5x64xi32, #tpu.memory_space<hbm>>
      %dma_start3A_232 = tpu.memref_squeeze %dma_start3A_231 : memref<1x5x64xi32, #tpu.memory_space<hbm>> -> memref<5x64xi32, #tpu.memory_space<hbm>>
      %dma_start3A_233 = arith.constant 0 : i32
      %dma_start3A_234 = arith.constant 0 : i32
      %dma_start3A_235 = tpu.memref_slice %arg3[%add3A, %dma_start3A_233, %dma_start3A_234] : memref<32x5x64xi32, #tpu.memory_space<hbm>> -> memref<1x5x64xi32, #tpu.memory_space<hbm>>
      %dma_start3A_236 = tpu.memref_squeeze %dma_start3A_235 : memref<1x5x64xi32, #tpu.memory_space<hbm>> -> memref<5x64xi32, #tpu.memory_space<hbm>>
      tpu.enqueue_dma source(%dma_start3A_236 : memref<5x64xi32, #tpu.memory_space<hbm>>) target(%arg5 : memref<5x64xi32, #tpu.memory_space<vmem>>) target_semaphore(%run_scoped3A : memref<!tpu.dma_semaphore, #tpu.memory_space<semaphore_mem>>)
      %dma_wait3A_237 = arith.constant 0 : i32
      %dma_wait3A_238 = arith.constant 0 : i32
      %dma_wait3A_239 = tpu.memref_slice %arg3[%add3A, %dma_wait3A_237, %dma_wait3A_238] : memref<32x5x64xi32, #tpu.memory_space<hbm>> -> memref<1x5x64xi32, #tpu.memory_space<hbm>>
      %dma_wait3A_240 = tpu.memref_squeeze %dma_wait3A_239 : memref<1x5x64xi32, #tpu.memory_space<hbm>> -> memref<5x64xi32, #tpu.memory_space<hbm>>
      %dma_wait3A_241 = arith.constant 0 : i32
      %dma_wait3A_242 = arith.constant 0 : i32
      %dma_wait3A_243 = tpu.memref_slice %arg3[%add3A, %dma_wait3A_241, %dma_wait3A_242] : memref<32x5x64xi32, #tpu.memory_space<hbm>> -> memref<1x5x64xi32, #tpu.memory_space<hbm>>
      %dma_wait3A_244 = tpu.memref_squeeze %dma_wait3A_243 : memref<1x5x64xi32, #tpu.memory_space<hbm>> -> memref<5x64xi32, #tpu.memory_space<hbm>>
      tpu.wait_dma2 semaphore(%run_scoped3A : memref<!tpu.dma_semaphore, #tpu.memory_space<semaphore_mem>>) src(%dma_wait3A_244 : memref<5x64xi32, #tpu.memory_space<hbm>>) dst(%arg5 : memref<5x64xi32, #tpu.memory_space<vmem>>)
      tpu.yield
    }) : () -> ()
    %dma_start3A = arith.constant 0 : i32
    %dma_start3A_1 = arith.constant 0 : i32
    %dma_start3A_2 = arith.constant 0 : i32
    %dma_start3A_3 = tpu.memref_slice %arg6[%dma_start3A_1, %dma_start3A_2] : memref<320x128xf32, #tpu.memory_space<vmem>> -> memref<64x128xf32, #tpu.memory_space<vmem>>
    %dma_start3A_4 = arith.constant 0 : i32
    %dma_start3A_5 = tpu.memref_slice %arg5[%dma_start3A, %dma_start3A_4] : memref<5x64xi32, #tpu.memory_space<vmem>> -> memref<1x64xi32, #tpu.memory_space<vmem>>
    %dma_start3A_6 = tpu.memref_squeeze %dma_start3A_5 : memref<1x64xi32, #tpu.memory_space<vmem>> -> memref<64xi32, #tpu.memory_space<vmem>>
    %dma_start3A_7 = arith.constant 0 : i32
    %dma_start3A_8 = arith.constant 0 : i32
    %dma_start3A_9 = tpu.memref_slice %arg2[%dma_start3A_7, %dma_start3A_8] : memref<2560x128xf32, #tpu.memory_space<hbm>> -> memref<2560x128xf32, #tpu.memory_space<hbm>>
    tpu.enqueue_indirect_dma source(%dma_start3A_9 : memref<2560x128xf32, #tpu.memory_space<hbm>>) target(%dma_start3A_3 : memref<64x128xf32, #tpu.memory_space<vmem>>) offsets(%dma_start3A_6 : memref<64xi32, #tpu.memory_space<vmem>>) semaphore(%arg7 : memref<!tpu.dma_semaphore, #tpu.memory_space<semaphore_mem>>)
    %dma_start3A_10 = arith.constant 1 : i32
    %dma_start3A_11 = arith.constant 64 : i32
    %dma_start3A_12 = arith.constant 0 : i32
    %dma_start3A_13 = tpu.memref_slice %arg6[%dma_start3A_11, %dma_start3A_12] : memref<320x128xf32, #tpu.memory_space<vmem>> -> memref<64x128xf32, #tpu.memory_space<vmem>>
    %dma_start3A_14 = arith.constant 0 : i32
    %dma_start3A_15 = tpu.memref_slice %arg5[%dma_start3A_10, %dma_start3A_14] : memref<5x64xi32, #tpu.memory_space<vmem>> -> memref<1x64xi32, #tpu.memory_space<vmem>>
    %dma_start3A_16 = tpu.memref_squeeze %dma_start3A_15 : memref<1x64xi32, #tpu.memory_space<vmem>> -> memref<64xi32, #tpu.memory_space<vmem>>
    %dma_start3A_17 = arith.constant 0 : i32
    %dma_start3A_18 = arith.constant 0 : i32
    %dma_start3A_19 = tpu.memref_slice %arg2[%dma_start3A_17, %dma_start3A_18] : memref<2560x128xf32, #tpu.memory_space<hbm>> -> memref<2560x128xf32, #tpu.memory_space<hbm>>
    tpu.enqueue_indirect_dma source(%dma_start3A_19 : memref<2560x128xf32, #tpu.memory_space<hbm>>) target(%dma_start3A_13 : memref<64x128xf32, #tpu.memory_space<vmem>>) offsets(%dma_start3A_16 : memref<64xi32, #tpu.memory_space<vmem>>) semaphore(%arg7 : memref<!tpu.dma_semaphore, #tpu.memory_space<semaphore_mem>>)
    %dma_start3A_20 = arith.constant 2 : i32
    %dma_start3A_21 = arith.constant 128 : i32
    %dma_start3A_22 = arith.constant 0 : i32
    %dma_start3A_23 = tpu.memref_slice %arg6[%dma_start3A_21, %dma_start3A_22] : memref<320x128xf32, #tpu.memory_space<vmem>> -> memref<64x128xf32, #tpu.memory_space<vmem>>
    %dma_start3A_24 = arith.constant 0 : i32
    %dma_start3A_25 = tpu.memref_slice %arg5[%dma_start3A_20, %dma_start3A_24] : memref<5x64xi32, #tpu.memory_space<vmem>> -> memref<1x64xi32, #tpu.memory_space<vmem>>
    %dma_start3A_26 = tpu.memref_squeeze %dma_start3A_25 : memref<1x64xi32, #tpu.memory_space<vmem>> -> memref<64xi32, #tpu.memory_space<vmem>>
    %dma_start3A_27 = arith.constant 0 : i32
    %dma_start3A_28 = arith.constant 0 : i32
    %dma_start3A_29 = tpu.memref_slice %arg2[%dma_start3A_27, %dma_start3A_28] : memref<2560x128xf32, #tpu.memory_space<hbm>> -> memref<2560x128xf32, #tpu.memory_space<hbm>>
    tpu.enqueue_indirect_dma source(%dma_start3A_29 : memref<2560x128xf32, #tpu.memory_space<hbm>>) target(%dma_start3A_23 : memref<64x128xf32, #tpu.memory_space<vmem>>) offsets(%dma_start3A_26 : memref<64xi32, #tpu.memory_space<vmem>>) semaphore(%arg7 : memref<!tpu.dma_semaphore, #tpu.memory_space<semaphore_mem>>)
    %dma_start3A_30 = arith.constant 3 : i32
    %dma_start3A_31 = arith.constant 192 : i32
    %dma_start3A_32 = arith.constant 0 : i32
    %dma_start3A_33 = tpu.memref_slice %arg6[%dma_start3A_31, %dma_start3A_32] : memref<320x128xf32, #tpu.memory_space<vmem>> -> memref<64x128xf32, #tpu.memory_space<vmem>>
    %dma_start3A_34 = arith.constant 0 : i32
    %dma_start3A_35 = tpu.memref_slice %arg5[%dma_start3A_30, %dma_start3A_34] : memref<5x64xi32, #tpu.memory_space<vmem>> -> memref<1x64xi32, #tpu.memory_space<vmem>>
    %dma_start3A_36 = tpu.memref_squeeze %dma_start3A_35 : memref<1x64xi32, #tpu.memory_space<vmem>> -> memref<64xi32, #tpu.memory_space<vmem>>
    %dma_start3A_37 = arith.constant 0 : i32
    %dma_start3A_38 = arith.constant 0 : i32
    %dma_start3A_39 = tpu.memref_slice %arg2[%dma_start3A_37, %dma_start3A_38] : memref<2560x128xf32, #tpu.memory_space<hbm>> -> memref<2560x128xf32, #tpu.memory_space<hbm>>
    tpu.enqueue_indirect_dma source(%dma_start3A_39 : memref<2560x128xf32, #tpu.memory_space<hbm>>) target(%dma_start3A_33 : memref<64x128xf32, #tpu.memory_space<vmem>>) offsets(%dma_start3A_36 : memref<64xi32, #tpu.memory_space<vmem>>) semaphore(%arg7 : memref<!tpu.dma_semaphore, #tpu.memory_space<semaphore_mem>>)
    %dma_start3A_40 = arith.constant 4 : i32
    %dma_start3A_41 = arith.constant 256 : i32
    %dma_start3A_42 = arith.constant 0 : i32
    %dma_start3A_43 = tpu.memref_slice %arg6[%dma_start3A_41, %dma_start3A_42] : memref<320x128xf32, #tpu.memory_space<vmem>> -> memref<64x128xf32, #tpu.memory_space<vmem>>
    %dma_start3A_44 = arith.constant 0 : i32
    %dma_start3A_45 = tpu.memref_slice %arg5[%dma_start3A_40, %dma_start3A_44] : memref<5x64xi32, #tpu.memory_space<vmem>> -> memref<1x64xi32, #tpu.memory_space<vmem>>
    %dma_start3A_46 = tpu.memref_squeeze %dma_start3A_45 : memref<1x64xi32, #tpu.memory_space<vmem>> -> memref<64xi32, #tpu.memory_space<vmem>>
    %dma_start3A_47 = arith.constant 0 : i32
    %dma_start3A_48 = arith.constant 0 : i32
    %dma_start3A_49 = tpu.memref_slice %arg2[%dma_start3A_47, %dma_start3A_48] : memref<2560x128xf32, #tpu.memory_space<hbm>> -> memref<2560x128xf32, #tpu.memory_space<hbm>>
    tpu.enqueue_indirect_dma source(%dma_start3A_49 : memref<2560x128xf32, #tpu.memory_space<hbm>>) target(%dma_start3A_43 : memref<64x128xf32, #tpu.memory_space<vmem>>) offsets(%dma_start3A_46 : memref<64xi32, #tpu.memory_space<vmem>>) semaphore(%arg7 : memref<!tpu.dma_semaphore, #tpu.memory_space<semaphore_mem>>)
    %dma_wait3A = arith.constant 0 : i32
    %dma_wait3A_50 = arith.constant 0 : i32
    %dma_wait3A_51 = arith.constant 0 : i32
    %dma_wait3A_52 = tpu.memref_slice %arg6[%dma_wait3A_50, %dma_wait3A_51] : memref<320x128xf32, #tpu.memory_space<vmem>> -> memref<64x128xf32, #tpu.memory_space<vmem>>
    %dma_wait3A_53 = arith.constant 0 : i32
    %dma_wait3A_54 = tpu.memref_slice %arg5[%dma_wait3A, %dma_wait3A_53] : memref<5x64xi32, #tpu.memory_space<vmem>> -> memref<1x64xi32, #tpu.memory_space<vmem>>
    %dma_wait3A_55 = tpu.memref_squeeze %dma_wait3A_54 : memref<1x64xi32, #tpu.memory_space<vmem>> -> memref<64xi32, #tpu.memory_space<vmem>>
    %dma_wait3A_56 = arith.constant 0 : i32
    %dma_wait3A_57 = arith.constant 0 : i32
    %dma_wait3A_58 = tpu.memref_slice %arg2[%dma_wait3A_56, %dma_wait3A_57] : memref<2560x128xf32, #tpu.memory_space<hbm>> -> memref<2560x128xf32, #tpu.memory_space<hbm>>
    tpu.wait_indirect_dma semaphore(%arg7 : memref<!tpu.dma_semaphore, #tpu.memory_space<semaphore_mem>>) src(%dma_wait3A_58 : memref<2560x128xf32, #tpu.memory_space<hbm>>) dst(%dma_wait3A_52 : memref<64x128xf32, #tpu.memory_space<vmem>>)
    %mul3A_59 = arith.constant 5 : i32
    %mul3A_60 = arith.muli %add3A, %mul3A_59 : i32
    %add3A_61 = arith.constant 0 : i32
    %add3A_62 = arith.addi %mul3A_60, %add3A_61 : i32
    %mul3A_63 = arith.constant 64 : i32
    %mul3A_64 = arith.muli %add3A_62, %mul3A_63 : i32
    %dma_start3A_65 = arith.constant 0 : i32
    %dma_start3A_66 = arith.constant 0 : i32
    %dma_start3A_67 = tpu.memref_slice %arg6[%dma_start3A_65, %dma_start3A_66] : memref<320x128xf32, #tpu.memory_space<vmem>> -> memref<64x128xf32, #tpu.memory_space<vmem>>
    %dma_start3A_68 = arith.constant 0 : i32
    %dma_start3A_69 = tpu.memref_slice %arg4[%mul3A_64, %dma_start3A_68] : memref<10240x128xf32, #tpu.memory_space<hbm>> -> memref<64x128xf32, #tpu.memory_space<hbm>>
    %dma_start3A_70 = arith.constant 0 : i32
    %dma_start3A_71 = tpu.memref_slice %arg4[%mul3A_64, %dma_start3A_70] : memref<10240x128xf32, #tpu.memory_space<hbm>> -> memref<64x128xf32, #tpu.memory_space<hbm>>
    %dma_start3A_72 = arith.constant 0 : i32
    %dma_start3A_73 = arith.constant 0 : i32
    %dma_start3A_74 = tpu.memref_slice %arg6[%dma_start3A_72, %dma_start3A_73] : memref<320x128xf32, #tpu.memory_space<vmem>> -> memref<64x128xf32, #tpu.memory_space<vmem>>
    tpu.enqueue_dma source(%dma_start3A_74 : memref<64x128xf32, #tpu.memory_space<vmem>>) target(%dma_start3A_71 : memref<64x128xf32, #tpu.memory_space<hbm>>) target_semaphore(%arg8 : memref<!tpu.dma_semaphore, #tpu.memory_space<semaphore_mem>>)
    %dma_wait3A_75 = arith.constant 1 : i32
    %dma_wait3A_76 = arith.constant 64 : i32
    %dma_wait3A_77 = arith.constant 0 : i32
    %dma_wait3A_78 = tpu.memref_slice %arg6[%dma_wait3A_76, %dma_wait3A_77] : memref<320x128xf32, #tpu.memory_space<vmem>> -> memref<64x128xf32, #tpu.memory_space<vmem>>
    %dma_wait3A_79 = arith.constant 0 : i32
    %dma_wait3A_80 = tpu.memref_slice %arg5[%dma_wait3A_75, %dma_wait3A_79] : memref<5x64xi32, #tpu.memory_space<vmem>> -> memref<1x64xi32, #tpu.memory_space<vmem>>
    %dma_wait3A_81 = tpu.memref_squeeze %dma_wait3A_80 : memref<1x64xi32, #tpu.memory_space<vmem>> -> memref<64xi32, #tpu.memory_space<vmem>>
    %dma_wait3A_82 = arith.constant 0 : i32
    %dma_wait3A_83 = arith.constant 0 : i32
    %dma_wait3A_84 = tpu.memref_slice %arg2[%dma_wait3A_82, %dma_wait3A_83] : memref<2560x128xf32, #tpu.memory_space<hbm>> -> memref<2560x128xf32, #tpu.memory_space<hbm>>
    tpu.wait_indirect_dma semaphore(%arg7 : memref<!tpu.dma_semaphore, #tpu.memory_space<semaphore_mem>>) src(%dma_wait3A_84 : memref<2560x128xf32, #tpu.memory_space<hbm>>) dst(%dma_wait3A_78 : memref<64x128xf32, #tpu.memory_space<vmem>>)
    %mul3A_85 = arith.constant 5 : i32
    %mul3A_86 = arith.muli %add3A, %mul3A_85 : i32
    %add3A_87 = arith.constant 1 : i32
    %add3A_88 = arith.addi %mul3A_86, %add3A_87 : i32
    %mul3A_89 = arith.constant 64 : i32
    %mul3A_90 = arith.muli %add3A_88, %mul3A_89 : i32
    %dma_start3A_91 = arith.constant 64 : i32
    %dma_start3A_92 = arith.constant 0 : i32
    %dma_start3A_93 = tpu.memref_slice %arg6[%dma_start3A_91, %dma_start3A_92] : memref<320x128xf32, #tpu.memory_space<vmem>> -> memref<64x128xf32, #tpu.memory_space<vmem>>
    %dma_start3A_94 = arith.constant 0 : i32
    %dma_start3A_95 = tpu.memref_slice %arg4[%mul3A_90, %dma_start3A_94] : memref<10240x128xf32, #tpu.memory_space<hbm>> -> memref<64x128xf32, #tpu.memory_space<hbm>>
    %dma_start3A_96 = arith.constant 0 : i32
    %dma_start3A_97 = tpu.memref_slice %arg4[%mul3A_90, %dma_start3A_96] : memref<10240x128xf32, #tpu.memory_space<hbm>> -> memref<64x128xf32, #tpu.memory_space<hbm>>
    %dma_start3A_98 = arith.constant 64 : i32
    %dma_start3A_99 = arith.constant 0 : i32
    %dma_start3A_100 = tpu.memref_slice %arg6[%dma_start3A_98, %dma_start3A_99] : memref<320x128xf32, #tpu.memory_space<vmem>> -> memref<64x128xf32, #tpu.memory_space<vmem>>
    tpu.enqueue_dma source(%dma_start3A_100 : memref<64x128xf32, #tpu.memory_space<vmem>>) target(%dma_start3A_97 : memref<64x128xf32, #tpu.memory_space<hbm>>) target_semaphore(%arg8 : memref<!tpu.dma_semaphore, #tpu.memory_space<semaphore_mem>>)
    %dma_wait3A_101 = arith.constant 2 : i32
    %dma_wait3A_102 = arith.constant 128 : i32
    %dma_wait3A_103 = arith.constant 0 : i32
    %dma_wait3A_104 = tpu.memref_slice %arg6[%dma_wait3A_102, %dma_wait3A_103] : memref<320x128xf32, #tpu.memory_space<vmem>> -> memref<64x128xf32, #tpu.memory_space<vmem>>
    %dma_wait3A_105 = arith.constant 0 : i32
    %dma_wait3A_106 = tpu.memref_slice %arg5[%dma_wait3A_101, %dma_wait3A_105] : memref<5x64xi32, #tpu.memory_space<vmem>> -> memref<1x64xi32, #tpu.memory_space<vmem>>
    %dma_wait3A_107 = tpu.memref_squeeze %dma_wait3A_106 : memref<1x64xi32, #tpu.memory_space<vmem>> -> memref<64xi32, #tpu.memory_space<vmem>>
    %dma_wait3A_108 = arith.constant 0 : i32
    %dma_wait3A_109 = arith.constant 0 : i32
    %dma_wait3A_110 = tpu.memref_slice %arg2[%dma_wait3A_108, %dma_wait3A_109] : memref<2560x128xf32, #tpu.memory_space<hbm>> -> memref<2560x128xf32, #tpu.memory_space<hbm>>
    tpu.wait_indirect_dma semaphore(%arg7 : memref<!tpu.dma_semaphore, #tpu.memory_space<semaphore_mem>>) src(%dma_wait3A_110 : memref<2560x128xf32, #tpu.memory_space<hbm>>) dst(%dma_wait3A_104 : memref<64x128xf32, #tpu.memory_space<vmem>>)
    %mul3A_111 = arith.constant 5 : i32
    %mul3A_112 = arith.muli %add3A, %mul3A_111 : i32
    %add3A_113 = arith.constant 2 : i32
    %add3A_114 = arith.addi %mul3A_112, %add3A_113 : i32
    %mul3A_115 = arith.constant 64 : i32
    %mul3A_116 = arith.muli %add3A_114, %mul3A_115 : i32
    %dma_start3A_117 = arith.constant 128 : i32
    %dma_start3A_118 = arith.constant 0 : i32
    %dma_start3A_119 = tpu.memref_slice %arg6[%dma_start3A_117, %dma_start3A_118] : memref<320x128xf32, #tpu.memory_space<vmem>> -> memref<64x128xf32, #tpu.memory_space<vmem>>
    %dma_start3A_120 = arith.constant 0 : i32
    %dma_start3A_121 = tpu.memref_slice %arg4[%mul3A_116, %dma_start3A_120] : memref<10240x128xf32, #tpu.memory_space<hbm>> -> memref<64x128xf32, #tpu.memory_space<hbm>>
    %dma_start3A_122 = arith.constant 0 : i32
    %dma_start3A_123 = tpu.memref_slice %arg4[%mul3A_116, %dma_start3A_122] : memref<10240x128xf32, #tpu.memory_space<hbm>> -> memref<64x128xf32, #tpu.memory_space<hbm>>
    %dma_start3A_124 = arith.constant 128 : i32
    %dma_start3A_125 = arith.constant 0 : i32
    %dma_start3A_126 = tpu.memref_slice %arg6[%dma_start3A_124, %dma_start3A_125] : memref<320x128xf32, #tpu.memory_space<vmem>> -> memref<64x128xf32, #tpu.memory_space<vmem>>
    tpu.enqueue_dma source(%dma_start3A_126 : memref<64x128xf32, #tpu.memory_space<vmem>>) target(%dma_start3A_123 : memref<64x128xf32, #tpu.memory_space<hbm>>) target_semaphore(%arg8 : memref<!tpu.dma_semaphore, #tpu.memory_space<semaphore_mem>>)
    %dma_wait3A_127 = arith.constant 3 : i32
    %dma_wait3A_128 = arith.constant 192 : i32
    %dma_wait3A_129 = arith.constant 0 : i32
    %dma_wait3A_130 = tpu.memref_slice %arg6[%dma_wait3A_128, %dma_wait3A_129] : memref<320x128xf32, #tpu.memory_space<vmem>> -> memref<64x128xf32, #tpu.memory_space<vmem>>
    %dma_wait3A_131 = arith.constant 0 : i32
    %dma_wait3A_132 = tpu.memref_slice %arg5[%dma_wait3A_127, %dma_wait3A_131] : memref<5x64xi32, #tpu.memory_space<vmem>> -> memref<1x64xi32, #tpu.memory_space<vmem>>
    %dma_wait3A_133 = tpu.memref_squeeze %dma_wait3A_132 : memref<1x64xi32, #tpu.memory_space<vmem>> -> memref<64xi32, #tpu.memory_space<vmem>>
    %dma_wait3A_134 = arith.constant 0 : i32
    %dma_wait3A_135 = arith.constant 0 : i32
    %dma_wait3A_136 = tpu.memref_slice %arg2[%dma_wait3A_134, %dma_wait3A_135] : memref<2560x128xf32, #tpu.memory_space<hbm>> -> memref<2560x128xf32, #tpu.memory_space<hbm>>
    tpu.wait_indirect_dma semaphore(%arg7 : memref<!tpu.dma_semaphore, #tpu.memory_space<semaphore_mem>>) src(%dma_wait3A_136 : memref<2560x128xf32, #tpu.memory_space<hbm>>) dst(%dma_wait3A_130 : memref<64x128xf32, #tpu.memory_space<vmem>>)
    %mul3A_137 = arith.constant 5 : i32
    %mul3A_138 = arith.muli %add3A, %mul3A_137 : i32
    %add3A_139 = arith.constant 3 : i32
    %add3A_140 = arith.addi %mul3A_138, %add3A_139 : i32
    %mul3A_141 = arith.constant 64 : i32
    %mul3A_142 = arith.muli %add3A_140, %mul3A_141 : i32
    %dma_start3A_143 = arith.constant 192 : i32
    %dma_start3A_144 = arith.constant 0 : i32
    %dma_start3A_145 = tpu.memref_slice %arg6[%dma_start3A_143, %dma_start3A_144] : memref<320x128xf32, #tpu.memory_space<vmem>> -> memref<64x128xf32, #tpu.memory_space<vmem>>
    %dma_start3A_146 = arith.constant 0 : i32
    %dma_start3A_147 = tpu.memref_slice %arg4[%mul3A_142, %dma_start3A_146] : memref<10240x128xf32, #tpu.memory_space<hbm>> -> memref<64x128xf32, #tpu.memory_space<hbm>>
    %dma_start3A_148 = arith.constant 0 : i32
    %dma_start3A_149 = tpu.memref_slice %arg4[%mul3A_142, %dma_start3A_148] : memref<10240x128xf32, #tpu.memory_space<hbm>> -> memref<64x128xf32, #tpu.memory_space<hbm>>
    %dma_start3A_150 = arith.constant 192 : i32
    %dma_start3A_151 = arith.constant 0 : i32
    %dma_start3A_152 = tpu.memref_slice %arg6[%dma_start3A_150, %dma_start3A_151] : memref<320x128xf32, #tpu.memory_space<vmem>> -> memref<64x128xf32, #tpu.memory_space<vmem>>
    tpu.enqueue_dma source(%dma_start3A_152 : memref<64x128xf32, #tpu.memory_space<vmem>>) target(%dma_start3A_149 : memref<64x128xf32, #tpu.memory_space<hbm>>) target_semaphore(%arg8 : memref<!tpu.dma_semaphore, #tpu.memory_space<semaphore_mem>>)
    %dma_wait3A_153 = arith.constant 4 : i32
    %dma_wait3A_154 = arith.constant 256 : i32
    %dma_wait3A_155 = arith.constant 0 : i32
    %dma_wait3A_156 = tpu.memref_slice %arg6[%dma_wait3A_154, %dma_wait3A_155] : memref<320x128xf32, #tpu.memory_space<vmem>> -> memref<64x128xf32, #tpu.memory_space<vmem>>
    %dma_wait3A_157 = arith.constant 0 : i32
    %dma_wait3A_158 = tpu.memref_slice %arg5[%dma_wait3A_153, %dma_wait3A_157] : memref<5x64xi32, #tpu.memory_space<vmem>> -> memref<1x64xi32, #tpu.memory_space<vmem>>
    %dma_wait3A_159 = tpu.memref_squeeze %dma_wait3A_158 : memref<1x64xi32, #tpu.memory_space<vmem>> -> memref<64xi32, #tpu.memory_space<vmem>>
    %dma_wait3A_160 = arith.constant 0 : i32
    %dma_wait3A_161 = arith.constant 0 : i32
    %dma_wait3A_162 = tpu.memref_slice %arg2[%dma_wait3A_160, %dma_wait3A_161] : memref<2560x128xf32, #tpu.memory_space<hbm>> -> memref<2560x128xf32, #tpu.memory_space<hbm>>
    tpu.wait_indirect_dma semaphore(%arg7 : memref<!tpu.dma_semaphore, #tpu.memory_space<semaphore_mem>>) src(%dma_wait3A_162 : memref<2560x128xf32, #tpu.memory_space<hbm>>) dst(%dma_wait3A_156 : memref<64x128xf32, #tpu.memory_space<vmem>>)
    %mul3A_163 = arith.constant 5 : i32
    %mul3A_164 = arith.muli %add3A, %mul3A_163 : i32
    %add3A_165 = arith.constant 4 : i32
    %add3A_166 = arith.addi %mul3A_164, %add3A_165 : i32
    %mul3A_167 = arith.constant 64 : i32
    %mul3A_168 = arith.muli %add3A_166, %mul3A_167 : i32
    %dma_start3A_169 = arith.constant 256 : i32
    %dma_start3A_170 = arith.constant 0 : i32
    %dma_start3A_171 = tpu.memref_slice %arg6[%dma_start3A_169, %dma_start3A_170] : memref<320x128xf32, #tpu.memory_space<vmem>> -> memref<64x128xf32, #tpu.memory_space<vmem>>
    %dma_start3A_172 = arith.constant 0 : i32
    %dma_start3A_173 = tpu.memref_slice %arg4[%mul3A_168, %dma_start3A_172] : memref<10240x128xf32, #tpu.memory_space<hbm>> -> memref<64x128xf32, #tpu.memory_space<hbm>>
    %dma_start3A_174 = arith.constant 0 : i32
    %dma_start3A_175 = tpu.memref_slice %arg4[%mul3A_168, %dma_start3A_174] : memref<10240x128xf32, #tpu.memory_space<hbm>> -> memref<64x128xf32, #tpu.memory_space<hbm>>
    %dma_start3A_176 = arith.constant 256 : i32
    %dma_start3A_177 = arith.constant 0 : i32
    %dma_start3A_178 = tpu.memref_slice %arg6[%dma_start3A_176, %dma_start3A_177] : memref<320x128xf32, #tpu.memory_space<vmem>> -> memref<64x128xf32, #tpu.memory_space<vmem>>
    tpu.enqueue_dma source(%dma_start3A_178 : memref<64x128xf32, #tpu.memory_space<vmem>>) target(%dma_start3A_175 : memref<64x128xf32, #tpu.memory_space<hbm>>) target_semaphore(%arg8 : memref<!tpu.dma_semaphore, #tpu.memory_space<semaphore_mem>>)
    %dma_wait3A_179 = arith.constant 0 : i32
    %dma_wait3A_180 = arith.constant 0 : i32
    %dma_wait3A_181 = tpu.memref_slice %arg6[%dma_wait3A_179, %dma_wait3A_180] : memref<320x128xf32, #tpu.memory_space<vmem>> -> memref<64x128xf32, #tpu.memory_space<vmem>>
    %dma_wait3A_182 = arith.constant 0 : i32
    %dma_wait3A_183 = tpu.memref_slice %arg4[%mul3A_64, %dma_wait3A_182] : memref<10240x128xf32, #tpu.memory_space<hbm>> -> memref<64x128xf32, #tpu.memory_space<hbm>>
    %dma_wait3A_184 = arith.constant 0 : i32
    %dma_wait3A_185 = tpu.memref_slice %arg4[%mul3A_64, %dma_wait3A_184] : memref<10240x128xf32, #tpu.memory_space<hbm>> -> memref<64x128xf32, #tpu.memory_space<hbm>>
    %dma_wait3A_186 = arith.constant 0 : i32
    %dma_wait3A_187 = arith.constant 0 : i32
    %dma_wait3A_188 = tpu.memref_slice %arg6[%dma_wait3A_186, %dma_wait3A_187] : memref<320x128xf32, #tpu.memory_space<vmem>> -> memref<64x128xf32, #tpu.memory_space<vmem>>
    tpu.wait_dma2 semaphore(%arg8 : memref<!tpu.dma_semaphore, #tpu.memory_space<semaphore_mem>>) src(%dma_wait3A_188 : memref<64x128xf32, #tpu.memory_space<vmem>>) dst(%dma_wait3A_185 : memref<64x128xf32, #tpu.memory_space<hbm>>)
    %dma_wait3A_189 = arith.constant 64 : i32
    %dma_wait3A_190 = arith.constant 0 : i32
    %dma_wait3A_191 = tpu.memref_slice %arg6[%dma_wait3A_189, %dma_wait3A_190] : memref<320x128xf32, #tpu.memory_space<vmem>> -> memref<64x128xf32, #tpu.memory_space<vmem>>
    %dma_wait3A_192 = arith.constant 0 : i32
    %dma_wait3A_193 = tpu.memref_slice %arg4[%mul3A_90, %dma_wait3A_192] : memref<10240x128xf32, #tpu.memory_space<hbm>> -> memref<64x128xf32, #tpu.memory_space<hbm>>
    %dma_wait3A_194 = arith.constant 0 : i32
    %dma_wait3A_195 = tpu.memref_slice %arg4[%mul3A_90, %dma_wait3A_194] : memref<10240x128xf32, #tpu.memory_space<hbm>> -> memref<64x128xf32, #tpu.memory_space<hbm>>
    %dma_wait3A_196 = arith.constant 64 : i32
    %dma_wait3A_197 = arith.constant 0 : i32
    %dma_wait3A_198 = tpu.memref_slice %arg6[%dma_wait3A_196, %dma_wait3A_197] : memref<320x128xf32, #tpu.memory_space<vmem>> -> memref<64x128xf32, #tpu.memory_space<vmem>>
    tpu.wait_dma2 semaphore(%arg8 : memref<!tpu.dma_semaphore, #tpu.memory_space<semaphore_mem>>) src(%dma_wait3A_198 : memref<64x128xf32, #tpu.memory_space<vmem>>) dst(%dma_wait3A_195 : memref<64x128xf32, #tpu.memory_space<hbm>>)
    %dma_wait3A_199 = arith.constant 128 : i32
    %dma_wait3A_200 = arith.constant 0 : i32
    %dma_wait3A_201 = tpu.memref_slice %arg6[%dma_wait3A_199, %dma_wait3A_200] : memref<320x128xf32, #tpu.memory_space<vmem>> -> memref<64x128xf32, #tpu.memory_space<vmem>>
    %dma_wait3A_202 = arith.constant 0 : i32
    %dma_wait3A_203 = tpu.memref_slice %arg4[%mul3A_116, %dma_wait3A_202] : memref<10240x128xf32, #tpu.memory_space<hbm>> -> memref<64x128xf32, #tpu.memory_space<hbm>>
    %dma_wait3A_204 = arith.constant 0 : i32
    %dma_wait3A_205 = tpu.memref_slice %arg4[%mul3A_116, %dma_wait3A_204] : memref<10240x128xf32, #tpu.memory_space<hbm>> -> memref<64x128xf32, #tpu.memory_space<hbm>>
    %dma_wait3A_206 = arith.constant 128 : i32
    %dma_wait3A_207 = arith.constant 0 : i32
    %dma_wait3A_208 = tpu.memref_slice %arg6[%dma_wait3A_206, %dma_wait3A_207] : memref<320x128xf32, #tpu.memory_space<vmem>> -> memref<64x128xf32, #tpu.memory_space<vmem>>
    tpu.wait_dma2 semaphore(%arg8 : memref<!tpu.dma_semaphore, #tpu.memory_space<semaphore_mem>>) src(%dma_wait3A_208 : memref<64x128xf32, #tpu.memory_space<vmem>>) dst(%dma_wait3A_205 : memref<64x128xf32, #tpu.memory_space<hbm>>)
    %dma_wait3A_209 = arith.constant 192 : i32
    %dma_wait3A_210 = arith.constant 0 : i32
    %dma_wait3A_211 = tpu.memref_slice %arg6[%dma_wait3A_209, %dma_wait3A_210] : memref<320x128xf32, #tpu.memory_space<vmem>> -> memref<64x128xf32, #tpu.memory_space<vmem>>
    %dma_wait3A_212 = arith.constant 0 : i32
    %dma_wait3A_213 = tpu.memref_slice %arg4[%mul3A_142, %dma_wait3A_212] : memref<10240x128xf32, #tpu.memory_space<hbm>> -> memref<64x128xf32, #tpu.memory_space<hbm>>
    %dma_wait3A_214 = arith.constant 0 : i32
    %dma_wait3A_215 = tpu.memref_slice %arg4[%mul3A_142, %dma_wait3A_214] : memref<10240x128xf32, #tpu.memory_space<hbm>> -> memref<64x128xf32, #tpu.memory_space<hbm>>
    %dma_wait3A_216 = arith.constant 192 : i32
    %dma_wait3A_217 = arith.constant 0 : i32
    %dma_wait3A_218 = tpu.memref_slice %arg6[%dma_wait3A_216, %dma_wait3A_217] : memref<320x128xf32, #tpu.memory_space<vmem>> -> memref<64x128xf32, #tpu.memory_space<vmem>>
    tpu.wait_dma2 semaphore(%arg8 : memref<!tpu.dma_semaphore, #tpu.memory_space<semaphore_mem>>) src(%dma_wait3A_218 : memref<64x128xf32, #tpu.memory_space<vmem>>) dst(%dma_wait3A_215 : memref<64x128xf32, #tpu.memory_space<hbm>>)
    %dma_wait3A_219 = arith.constant 256 : i32
    %dma_wait3A_220 = arith.constant 0 : i32
    %dma_wait3A_221 = tpu.memref_slice %arg6[%dma_wait3A_219, %dma_wait3A_220] : memref<320x128xf32, #tpu.memory_space<vmem>> -> memref<64x128xf32, #tpu.memory_space<vmem>>
    %dma_wait3A_222 = arith.constant 0 : i32
    %dma_wait3A_223 = tpu.memref_slice %arg4[%mul3A_168, %dma_wait3A_222] : memref<10240x128xf32, #tpu.memory_space<hbm>> -> memref<64x128xf32, #tpu.memory_space<hbm>>
    %dma_wait3A_224 = arith.constant 0 : i32
    %dma_wait3A_225 = tpu.memref_slice %arg4[%mul3A_168, %dma_wait3A_224] : memref<10240x128xf32, #tpu.memory_space<hbm>> -> memref<64x128xf32, #tpu.memory_space<hbm>>
    %dma_wait3A_226 = arith.constant 256 : i32
    %dma_wait3A_227 = arith.constant 0 : i32
    %dma_wait3A_228 = tpu.memref_slice %arg6[%dma_wait3A_226, %dma_wait3A_227] : memref<320x128xf32, #tpu.memory_space<vmem>> -> memref<64x128xf32, #tpu.memory_space<vmem>>
    tpu.wait_dma2 semaphore(%arg8 : memref<!tpu.dma_semaphore, #tpu.memory_space<semaphore_mem>>) src(%dma_wait3A_228 : memref<64x128xf32, #tpu.memory_space<vmem>>) dst(%dma_wait3A_225 : memref<64x128xf32, #tpu.memory_space<hbm>>)
    return
  }
}

module attributes {stable_mosaic.version = 14 : i64} {
  func.func @_layer1_body(%arg0: i32, %arg1: memref<1x1024xi32, #tpu.memory_space<vmem>>, %arg2: memref<1024x16xf32, #tpu.memory_space<vmem>>, %arg3: memref<1024x128xf32, #tpu.memory_space<vmem>>, %arg4: memref<16x32xf32, #tpu.memory_space<vmem>>, %arg5: memref<1x32xf32, #tpu.memory_space<vmem>>, %arg6: memref<1024x128xf32, #tpu.memory_space<vmem>>, %arg7: memref<32x128xf32, #tpu.memory_space<vmem>>, %arg8: memref<2560x128xf32, #tpu.memory_space<vmem>>, %arg9: memref<32x128xf32, #tpu.memory_space<vmem>>, %arg10: memref<1x128xf32, #tpu.memory_space<vmem>>, %arg11: memref<1x128xf32, #tpu.memory_space<vmem>>, %arg12: memref<1x128xf32, #tpu.memory_space<vmem>>, %arg13: memref<2560x128xf32, #tpu.memory_space<vmem>>, %arg14: memref<2560x128xf32, #tpu.memory_space<vmem>>) attributes {dimension_semantics = [#tpu.dimension_semantics<arbitrary>], iteration_bounds = array<i64: 10>, scalar_prefetch = 0 : i64, scratch_operands = 1 : i64, tpu.core_type = #tpu.core_type<tc>, window_params = [{transform_indices = @transform_0, window_bounds = array<i64: 1, 1024>}, {transform_indices = @transform_1, window_bounds = array<i64: 1024, 16>}, {transform_indices = @transform_2, window_bounds = array<i64: 1024, 128>}, {pipeline_mode = #tpu.pipeline_mode<synchronous>, transform_indices = @transform_3, window_bounds = array<i64: 16, 32>}, {pipeline_mode = #tpu.pipeline_mode<synchronous>, transform_indices = @transform_4, window_bounds = array<i64: 1, 32>}, {pipeline_mode = #tpu.pipeline_mode<synchronous>, transform_indices = @transform_5, window_bounds = array<i64: 1024, 128>}, {pipeline_mode = #tpu.pipeline_mode<synchronous>, transform_indices = @transform_6, window_bounds = array<i64: 32, 128>}, {pipeline_mode = #tpu.pipeline_mode<synchronous>, transform_indices = @transform_7, window_bounds = array<i64: 2560, 128>}, {pipeline_mode = #tpu.pipeline_mode<synchronous>, transform_indices = @transform_8, window_bounds = array<i64: 32, 128>}, {pipeline_mode = #tpu.pipeline_mode<synchronous>, transform_indices = @transform_9, window_bounds = array<i64: 1, 128>}, {pipeline_mode = #tpu.pipeline_mode<synchronous>, transform_indices = @transform_10, window_bounds = array<i64: 1, 128>}, {pipeline_mode = #tpu.pipeline_mode<synchronous>, transform_indices = @transform_11, window_bounds = array<i64: 1, 128>}, {pipeline_mode = #tpu.pipeline_mode<synchronous>, transform_indices = @transform_12, window_bounds = array<i64: 2560, 128>}]} {
    %get3A = arith.constant 0 : index
    %get3A_0 = arith.constant 0 : index
    %get3A_1 = vector.load %arg2[%get3A, %get3A_0] : memref<1024x16xf32, #tpu.memory_space<vmem>>, vector<1024x16xf32>
    %get3A_2 = arith.constant 0 : index
    %get3A_3 = arith.constant 0 : index
    %get3A_4 = vector.load %arg4[%get3A_2, %get3A_3] : memref<16x32xf32, #tpu.memory_space<vmem>>, vector<16x32xf32>
    %dot_general3A = arith.constant dense<0.000000e+00> : vector<1024x32xf32>
    %dot_general3A_5 = tpu.matmul %get3A_1, %get3A_4, %dot_general3A {dimension_numbers = #tpu.dot_dimension_numbers<[1], [0], [0], [1], [0, 0, 1, 1], [], []>, transpose_lhs_hint = false} : vector<1024x16xf32>, vector<16x32xf32>, vector<1024x32xf32> -> vector<1024x32xf32>
    %get3A_6 = arith.constant 0 : index
    %get3A_7 = arith.constant 0 : index
    %get3A_8 = vector.load %arg5[%get3A_6, %get3A_7] : memref<1x32xf32, #tpu.memory_space<vmem>>, vector<1x32xf32>
    %add3A = vector.broadcast %get3A_8 : vector<1x32xf32> to vector<1024x32xf32>
    %add3A_9 = arith.addf %dot_general3A_5, %add3A : vector<1024x32xf32>
    %max3A = arith.constant 0.000000e+00 : f32
    %max3A_10 = vector.broadcast %max3A : f32 to vector<1024x32xf32>
    %max3A_11 = arith.maximumf %add3A_9, %max3A_10 : vector<1024x32xf32>
    %get3A_12 = arith.constant 0 : index
    %get3A_13 = arith.constant 0 : index
    %get3A_14 = vector.load %arg3[%get3A_12, %get3A_13] : memref<1024x128xf32, #tpu.memory_space<vmem>>, vector<1024x32xf32>
    %iota3A = tpu.iota {dimensions = array<i32: 0>} : vector<32x1024xi32>
    %iota3A_15 = tpu.iota {dimensions = array<i32: 1>} : vector<32x1024xi32>
    %jit3A = arith.constant 32 : i32
    %div3A = vector.broadcast %jit3A : i32 to vector<32x1024xi32>
    %div3A_16 = arith.divsi %iota3A_15, %div3A : vector<32x1024xi32>
    %sign3A = arith.constant 0 : i32
    %sign3A_17 = vector.broadcast %sign3A : i32 to vector<32x1024xi32>
    %sign3A_18 = arith.cmpi sgt, %iota3A_15, %sign3A_17 : vector<32x1024xi32>
    %sign3A_19 = arith.extui %sign3A_18 : vector<32x1024xi1> to vector<32x1024xi32>
    %sign3A_20 = arith.constant 0 : i32
    %sign3A_21 = vector.broadcast %sign3A_20 : i32 to vector<32x1024xi32>
    %sign3A_22 = arith.cmpi slt, %iota3A_15, %sign3A_21 : vector<32x1024xi32>
    %sign3A_23 = arith.extui %sign3A_22 : vector<32x1024xi1> to vector<32x1024xi32>
    %sign3A_24 = arith.subi %sign3A_19, %sign3A_23 : vector<32x1024xi32>
    %sign3A_25 = arith.constant 0 : i32
    %sign3A_26 = arith.cmpi sgt, %jit3A, %sign3A_25 : i32
    %sign3A_27 = arith.extui %sign3A_26 : i1 to i32
    %sign3A_28 = arith.constant 0 : i32
    %sign3A_29 = arith.cmpi slt, %jit3A, %sign3A_28 : i32
    %sign3A_30 = arith.extui %sign3A_29 : i1 to i32
    %sign3A_31 = arith.subi %sign3A_27, %sign3A_30 : i32
    %ne3A = vector.broadcast %sign3A_31 : i32 to vector<32x1024xi32>
    %ne3A_32 = arith.cmpi ne, %sign3A_24, %ne3A : vector<32x1024xi32>
    %rem3A = vector.broadcast %jit3A : i32 to vector<32x1024xi32>
    %rem3A_33 = arith.remsi %iota3A_15, %rem3A : vector<32x1024xi32>
    %ne3A_34 = arith.constant 0 : i32
    %ne3A_35 = vector.broadcast %ne3A_34 : i32 to vector<32x1024xi32>
    %ne3A_36 = arith.cmpi ne, %rem3A_33, %ne3A_35 : vector<32x1024xi32>
    %and3A = arith.andi %ne3A_32, %ne3A_36 : vector<32x1024xi1>
    %sub3A = arith.constant 1 : i32
    %sub3A_37 = vector.broadcast %sub3A : i32 to vector<32x1024xi32>
    %sub3A_38 = arith.subi %div3A_16, %sub3A_37 : vector<32x1024xi32>
    %select_n3A = arith.select %and3A, %sub3A_38, %div3A_16 : vector<32x1024xi1>, vector<32x1024xi32>
    %eq3A = arith.cmpi eq, %iota3A, %select_n3A : vector<32x1024xi32>
    %convert_element_type3A = arith.extui %eq3A : vector<32x1024xi1> to vector<32x1024xi32>
    %convert_element_type3A_39 = arith.sitofp %convert_element_type3A : vector<32x1024xi32> to vector<32x1024xf32>
    %dot_general3A_40 = arith.constant dense<0.000000e+00> : vector<1024x1024xf32>
    %dot_general3A_41 = tpu.matmul %max3A_11, %convert_element_type3A_39, %dot_general3A_40 {dimension_numbers = #tpu.dot_dimension_numbers<[1], [0], [0], [1], [0, 0, 1, 1], [], []>, transpose_lhs_hint = false} : vector<1024x32xf32>, vector<32x1024xf32>, vector<1024x1024xf32> -> vector<1024x1024xf32>
    %tile3A = tpu.concatenate %get3A_14, %get3A_14, %get3A_14, %get3A_14 in 1 : vector<1024x32xf32>, vector<1024x32xf32>, vector<1024x32xf32>, vector<1024x32xf32> -> vector<1024x128xf32>
    %tile3A_42 = tpu.concatenate %tile3A, %tile3A, %tile3A, %tile3A, %tile3A, %tile3A, %tile3A, %tile3A in 1 : vector<1024x128xf32>, vector<1024x128xf32>, vector<1024x128xf32>, vector<1024x128xf32>, vector<1024x128xf32>, vector<1024x128xf32>, vector<1024x128xf32>, vector<1024x128xf32> -> vector<1024x1024xf32>
    %mul3A = arith.mulf %dot_general3A_41, %tile3A_42 : vector<1024x1024xf32>
    %get3A_43 = arith.constant 0 : index
    %get3A_44 = arith.constant 0 : index
    %get3A_45 = vector.load %arg6[%get3A_43, %get3A_44] : memref<1024x128xf32, #tpu.memory_space<vmem>>, vector<1024x128xf32>
    %dot_general3A_46 = arith.constant dense<0.000000e+00> : vector<1024x128xf32>
    %dot_general3A_47 = tpu.matmul %mul3A, %get3A_45, %dot_general3A_46 {dimension_numbers = #tpu.dot_dimension_numbers<[1], [0], [0], [1], [0, 0, 1, 1], [], []>, transpose_lhs_hint = false} : vector<1024x1024xf32>, vector<1024x128xf32>, vector<1024x128xf32> -> vector<1024x128xf32>
    %get3A_48 = arith.constant 0 : index
    %get3A_49 = arith.constant 0 : index
    %get3A_50 = vector.load %arg7[%get3A_48, %get3A_49] : memref<32x128xf32, #tpu.memory_space<vmem>>, vector<32x128xf32>
    %dot_general3A_51 = arith.constant dense<0.000000e+00> : vector<1024x128xf32>
    %dot_general3A_52 = tpu.matmul %get3A_14, %get3A_50, %dot_general3A_51 {dimension_numbers = #tpu.dot_dimension_numbers<[1], [0], [0], [1], [0, 0, 1, 1], [], []>, transpose_lhs_hint = false} : vector<1024x32xf32>, vector<32x128xf32>, vector<1024x128xf32> -> vector<1024x128xf32>
    %add3A_53 = arith.addf %dot_general3A_47, %dot_general3A_52 : vector<1024x128xf32>
    %mul3A_54 = arith.constant 1024 : i32
    %mul3A_55 = arith.muli %arg0, %mul3A_54 : i32
    %iota3A_56 = tpu.iota {dimensions = array<i32: 0>} : vector<1024x128xi32>
    %add3A_57 = vector.broadcast %mul3A_55 : i32 to vector<1024x128xi32>
    %add3A_58 = arith.addi %add3A_57, %iota3A_56 : vector<1024x128xi32>
    %iota3A_59 = tpu.iota {dimensions = array<i32: 1>} : vector<1024x128xi32>
    %lt3A = arith.constant 10000 : i32
    %lt3A_60 = vector.broadcast %lt3A : i32 to vector<1024x128xi32>
    %lt3A_61 = arith.cmpi slt, %add3A_58, %lt3A_60 : vector<1024x128xi32>
    %convert_element_type3A_62 = arith.extui %lt3A_61 : vector<1024x128xi1> to vector<1024x128xi32>
    %convert_element_type3A_63 = arith.sitofp %convert_element_type3A_62 : vector<1024x128xi32> to vector<1024x128xf32>
    %eq3A_64 = arith.constant 120 : i32
    %eq3A_65 = vector.broadcast %eq3A_64 : i32 to vector<1024x128xi32>
    %eq3A_66 = arith.cmpi eq, %iota3A_59, %eq3A_65 : vector<1024x128xi32>
    %mul3A_67 = arith.mulf %add3A_53, %convert_element_type3A_63 : vector<1024x128xf32>
    %select_n3A_68 = arith.select %eq3A_66, %convert_element_type3A_63, %mul3A_67 : vector<1024x128xi1>, vector<1024x128xf32>
    %get3A_69 = arith.constant 0 : index
    %get3A_70 = arith.constant 0 : index
    %get3A_71 = vector.load %arg1[%get3A_69, %get3A_70] : memref<1x1024xi32, #tpu.memory_space<vmem>>, vector<1x1024xi32>
    %eq3A_72 = arith.constant 0 : i32
    %eq3A_73 = arith.cmpi eq, %arg0, %eq3A_72 : i32
    %convert_element_type3A_74 = arith.extui %eq3A_73 : i1 to i32
    %cond3A = arith.constant 0 : i32
    %cond3A_75 = arith.cmpi ne, %convert_element_type3A_74, %cond3A : i32
    scf.if %cond3A_75 {
      %broadcast_in_dim3A = arith.constant 0.000000e+00 : f32
      %broadcast_in_dim3A_94 = vector.broadcast %broadcast_in_dim3A : f32 to vector<2560x128xf32>
      %swap3A_95 = arith.constant 0 : index
      %swap3A_96 = arith.constant 0 : index
      %swap3A_97 = vector.load %arg14[%swap3A_95, %swap3A_96] : memref<2560x128xf32, #tpu.memory_space<vmem>>, vector<2560x128xf32>
      tpu.vector_store %arg14[%swap3A_95, %swap3A_96], %broadcast_in_dim3A_94 {strides = array<i32>} : memref<2560x128xf32, #tpu.memory_space<vmem>>, vector<2560x128xf32>,
    } else {
    }
    %iota3A_76 = tpu.iota {dimensions = array<i32: 0>} : vector<2560x1024xi32>
    %eq3A_77 = vector.broadcast %get3A_71 : vector<1x1024xi32> to vector<2560x1024xi32>
    %eq3A_78 = arith.cmpi eq, %iota3A_76, %eq3A_77 : vector<2560x1024xi32>
    %convert_element_type3A_79 = arith.extui %eq3A_78 : vector<2560x1024xi1> to vector<2560x1024xi32>
    %convert_element_type3A_80 = arith.sitofp %convert_element_type3A_79 : vector<2560x1024xi32> to vector<2560x1024xf32>
    %get3A_81 = arith.constant 0 : index
    %get3A_82 = arith.constant 0 : index
    %get3A_83 = vector.load %arg14[%get3A_81, %get3A_82] : memref<2560x128xf32, #tpu.memory_space<vmem>>, vector<2560x128xf32>
    %dot_general3A_84 = arith.constant dense<0.000000e+00> : vector<2560x128xf32>
    %dot_general3A_85 = tpu.matmul %convert_element_type3A_80, %select_n3A_68, %dot_general3A_84 {dimension_numbers = #tpu.dot_dimension_numbers<[1], [0], [0], [1], [0, 0, 1, 1], [], []>, transpose_lhs_hint = false} : vector<2560x1024xf32>, vector<1024x128xf32>, vector<2560x128xf32> -> vector<2560x128xf32>
    %add3A_86 = arith.addf %get3A_83, %dot_general3A_85 : vector<2560x128xf32>
    %swap3A = arith.constant 0 : index
    %swap3A_87 = arith.constant 0 : index
    %swap3A_88 = vector.load %arg14[%swap3A, %swap3A_87] : memref<2560x128xf32, #tpu.memory_space<vmem>>, vector<2560x128xf32>
    tpu.vector_store %arg14[%swap3A, %swap3A_87], %add3A_86 {strides = array<i32>} : memref<2560x128xf32, #tpu.memory_space<vmem>>, vector<2560x128xf32>,
    %eq3A_89 = arith.constant 9 : i32
    %eq3A_90 = arith.cmpi eq, %arg0, %eq3A_89 : i32
    %convert_element_type3A_91 = arith.extui %eq3A_90 : i1 to i32
    %cond3A_92 = arith.constant 0 : i32
    %cond3A_93 = arith.cmpi ne, %convert_element_type3A_91, %cond3A_92 : i32
    scf.if %cond3A_93 {
      %get3A_94 = arith.constant 0 : index
      %get3A_95 = arith.constant 0 : index
      %get3A_96 = vector.load %arg14[%get3A_94, %get3A_95] : memref<2560x128xf32, #tpu.memory_space<vmem>>, vector<2560x128xf32>
      %iota3A_97 = tpu.iota {dimensions = array<i32: 0>} : vector<128x128xi32>
      %eq3A_98 = arith.constant 120 : i32
      %eq3A_99 = vector.broadcast %eq3A_98 : i32 to vector<128x128xi32>
      %eq3A_100 = arith.cmpi eq, %iota3A_97, %eq3A_99 : vector<128x128xi32>
      %convert_element_type3A_101 = arith.extui %eq3A_100 : vector<128x128xi1> to vector<128x128xi32>
      %convert_element_type3A_102 = arith.sitofp %convert_element_type3A_101 : vector<128x128xi32> to vector<128x128xf32>
      %dot_general3A_103 = arith.constant dense<0.000000e+00> : vector<2560x128xf32>
      %dot_general3A_104 = tpu.matmul %get3A_96, %convert_element_type3A_102, %dot_general3A_103 {dimension_numbers = #tpu.dot_dimension_numbers<[1], [0], [0], [1], [0, 0, 1, 1], [], []>, transpose_lhs_hint = false} : vector<2560x128xf32>, vector<128x128xf32>, vector<2560x128xf32> -> vector<2560x128xf32>
      %iota3A_105 = tpu.iota {dimensions = array<i32: 1>} : vector<2560x128xi32>
      %lt3A_106 = arith.constant 120 : i32
      %lt3A_107 = vector.broadcast %lt3A_106 : i32 to vector<2560x128xi32>
      %lt3A_108 = arith.cmpi slt, %iota3A_105, %lt3A_107 : vector<2560x128xi32>
      %jit3A_109 = arith.constant 0.000000e+00 : f32
      %broadcast_in_dim3A = vector.broadcast %jit3A_109 : f32 to vector<2560x128xf32>
      %select_n3A_110 = arith.select %lt3A_108, %get3A_96, %broadcast_in_dim3A : vector<2560x128xi1>, vector<2560x128xf32>
      %max3A_111 = arith.constant 1.000000e+00 : f32
      %max3A_112 = vector.broadcast %max3A_111 : f32 to vector<2560x128xf32>
      %max3A_113 = arith.maximumf %dot_general3A_104, %max3A_112 : vector<2560x128xf32>
      %div3A_114 = arith.divf %select_n3A_110, %max3A_113 : vector<2560x128xf32>
      %get3A_115 = arith.constant 0 : index
      %get3A_116 = arith.constant 0 : index
      %get3A_117 = vector.load %arg8[%get3A_115, %get3A_116] : memref<2560x128xf32, #tpu.memory_space<vmem>>, vector<2560x32xf32>
      %get3A_118 = arith.constant 0 : index
      %get3A_119 = arith.constant 0 : index
      %get3A_120 = vector.load %arg9[%get3A_118, %get3A_119] : memref<32x128xf32, #tpu.memory_space<vmem>>, vector<32x128xf32>
      %dot_general3A_121 = arith.constant dense<0.000000e+00> : vector<2560x128xf32>
      %dot_general3A_122 = tpu.matmul %get3A_117, %get3A_120, %dot_general3A_121 {dimension_numbers = #tpu.dot_dimension_numbers<[1], [0], [0], [1], [0, 0, 1, 1], [], []>, transpose_lhs_hint = false} : vector<2560x32xf32>, vector<32x128xf32>, vector<2560x128xf32> -> vector<2560x128xf32>
      %add3A_123 = arith.addf %div3A_114, %dot_general3A_122 : vector<2560x128xf32>
      %get3A_124 = arith.constant 0 : index
      %get3A_125 = arith.constant 0 : index
      %get3A_126 = vector.load %arg10[%get3A_124, %get3A_125] : memref<1x128xf32, #tpu.memory_space<vmem>>, vector<1x128xf32>
      %add3A_127 = vector.broadcast %get3A_126 : vector<1x128xf32> to vector<2560x128xf32>
      %add3A_128 = arith.addf %add3A_123, %add3A_127 : vector<2560x128xf32>
      %max3A_129 = arith.constant 0.000000e+00 : f32
      %max3A_130 = vector.broadcast %max3A_129 : f32 to vector<2560x128xf32>
      %max3A_131 = arith.maximumf %add3A_128, %max3A_130 : vector<2560x128xf32>
      %get3A_132 = arith.constant 0 : index
      %get3A_133 = arith.constant 0 : index
      %get3A_134 = vector.load %arg11[%get3A_132, %get3A_133] : memref<1x128xf32, #tpu.memory_space<vmem>>, vector<1x128xf32>
      %get3A_135 = arith.constant 0 : index
      %get3A_136 = arith.constant 0 : index
      %get3A_137 = vector.load %arg12[%get3A_135, %get3A_136] : memref<1x128xf32, #tpu.memory_space<vmem>>, vector<1x128xf32>
      %reduce_sum3A = arith.constant dense<0.000000e+00> : vector<128xf32>
      %reduce_sum3A_138 = vector.multi_reduction <add>, %max3A_131, %reduce_sum3A [0] : vector<2560x128xf32> to vector<128xf32>
      %div3A_139 = arith.constant 2.560000e+03 : f32
      %div3A_140 = vector.broadcast %div3A_139 : f32 to vector<128xf32>
      %div3A_141 = arith.divf %reduce_sum3A_138, %div3A_140 : vector<128xf32>
      %jit3A_142 = arith.constant 0 : i32
      %reduce_sum3A_143 = arith.constant dense<0.000000e+00> : vector<128xf32>
      %reduce_sum3A_144 = vector.multi_reduction <add>, %max3A_131, %reduce_sum3A_143 [0] : vector<2560x128xf32> to vector<128xf32>
      %broadcast_in_dim3A_145 = vector.shape_cast %reduce_sum3A_144 : vector<128xf32> to vector<1x128xf32>
      %div3A_146 = arith.constant 2.560000e+03 : f32
      %div3A_147 = vector.broadcast %div3A_146 : f32 to vector<1x128xf32>
      %div3A_148 = arith.divf %broadcast_in_dim3A_145, %div3A_147 : vector<1x128xf32>
      %sub3A_149 = vector.broadcast %div3A_148 : vector<1x128xf32> to vector<2560x128xf32>
      %sub3A_150 = arith.subf %max3A_131, %sub3A_149 : vector<2560x128xf32>
      %square3A = arith.mulf %sub3A_150, %sub3A_150 : vector<2560x128xf32>
      %convert_element_type3A_151 = arith.sitofp %jit3A_142 : i32 to f32
      %sub3A_152 = arith.constant 2.560000e+03 : f32
      %sub3A_153 = arith.subf %sub3A_152, %convert_element_type3A_151 : f32
      %reduce_sum3A_154 = arith.constant dense<0.000000e+00> : vector<128xf32>
      %reduce_sum3A_155 = vector.multi_reduction <add>, %square3A, %reduce_sum3A_154 [0] : vector<2560x128xf32> to vector<128xf32>
      %div3A_156 = vector.broadcast %sub3A_153 : f32 to vector<128xf32>
      %div3A_157 = arith.divf %reduce_sum3A_155, %div3A_156 : vector<128xf32>
      %gt3A = arith.constant 0.000000e+00 : f32
      %gt3A_158 = arith.cmpf ogt, %sub3A_153, %gt3A : f32
      %jit3A_159 = arith.constant 0x7FC00000 : f32
      %broadcast_in_dim3A_160 = vector.broadcast %jit3A_159 : f32 to vector<128xf32>
      %select_n3A_161 = arith.select %gt3A_158, %div3A_157, %broadcast_in_dim3A_160 : vector<128xf32>
      %broadcast_in_dim3A_162 = vector.shape_cast %div3A_141 : vector<128xf32> to vector<1x128xf32>
      %sub3A_163 = vector.broadcast %broadcast_in_dim3A_162 : vector<1x128xf32> to vector<2560x128xf32>
      %sub3A_164 = arith.subf %max3A_131, %sub3A_163 : vector<2560x128xf32>
      %add3A_165 = arith.constant 1.280000e+02 : f32
      %add3A_166 = vector.broadcast %add3A_165 : f32 to vector<128xf32>
      %add3A_167 = arith.addf %select_n3A_161, %add3A_166 : vector<128xf32>
      %sqrt3A = math.sqrt %add3A_167 : vector<128xf32>
      %broadcast_in_dim3A_168 = vector.shape_cast %sqrt3A : vector<128xf32> to vector<1x128xf32>
      %div3A_169 = vector.broadcast %broadcast_in_dim3A_168 : vector<1x128xf32> to vector<2560x128xf32>
      %div3A_170 = arith.divf %sub3A_164, %div3A_169 : vector<2560x128xf32>
      %mul3A_171 = vector.broadcast %get3A_134 : vector<1x128xf32> to vector<2560x128xf32>
      %mul3A_172 = arith.mulf %div3A_170, %mul3A_171 : vector<2560x128xf32>
      %add3A_173 = vector.broadcast %get3A_137 : vector<1x128xf32> to vector<2560x128xf32>
      %add3A_174 = arith.addf %mul3A_172, %add3A_173 : vector<2560x128xf32>
      %swap3A_175 = arith.constant 0 : index
      %swap3A_176 = arith.constant 0 : index
      %swap3A_177 = vector.load %arg13[%swap3A_175, %swap3A_176] : memref<2560x128xf32, #tpu.memory_space<vmem>>, vector<2560x128xf32>
      tpu.vector_store %arg13[%swap3A_175, %swap3A_176], %add3A_174 {strides = array<i32>} : memref<2560x128xf32, #tpu.memory_space<vmem>>, vector<2560x128xf32>,
    } else {
    }
    return
  }
  func.func @transform_0(%arg0: i32) -> (i32, i32) {
    %c0_i32 = arith.constant 0 : i32
    %c0_i32_0 = arith.constant 0 : i32
    return %c0_i32, %arg0 : i32, i32
  }
  func.func @transform_1(%arg0: i32) -> (i32, i32) {
    %c0_i32 = arith.constant 0 : i32
    %c0_i32_0 = arith.constant 0 : i32
    return %arg0, %c0_i32 : i32, i32
  }
  func.func @transform_2(%arg0: i32) -> (i32, i32) {
    %c0_i32 = arith.constant 0 : i32
    %c0_i32_0 = arith.constant 0 : i32
    return %arg0, %c0_i32 : i32, i32
  }
  func.func @transform_3(%arg0: i32) -> (i32, i32) {
    %c0_i32 = arith.constant 0 : i32
    %c0_i32_0 = arith.constant 0 : i32
    %c0_i32_1 = arith.constant 0 : i32
    return %c0_i32, %c0_i32_0 : i32, i32
  }
  func.func @transform_4(%arg0: i32) -> (i32, i32) {
    %c0_i32 = arith.constant 0 : i32
    %c0_i32_0 = arith.constant 0 : i32
    %c0_i32_1 = arith.constant 0 : i32
    return %c0_i32, %c0_i32_0 : i32, i32
  }
  func.func @transform_5(%arg0: i32) -> (i32, i32) {
    %c0_i32 = arith.constant 0 : i32
    %c0_i32_0 = arith.constant 0 : i32
    %c0_i32_1 = arith.constant 0 : i32
    return %c0_i32, %c0_i32_0 : i32, i32
  }
  func.func @transform_6(%arg0: i32) -> (i32, i32) {
    %c0_i32 = arith.constant 0 : i32
    %c0_i32_0 = arith.constant 0 : i32
    %c0_i32_1 = arith.constant 0 : i32
    return %c0_i32, %c0_i32_0 : i32, i32
  }
  func.func @transform_7(%arg0: i32) -> (i32, i32) {
    %c0_i32 = arith.constant 0 : i32
    %c0_i32_0 = arith.constant 0 : i32
    %c0_i32_1 = arith.constant 0 : i32
    return %c0_i32, %c0_i32_0 : i32, i32
  }
  func.func @transform_8(%arg0: i32) -> (i32, i32) {
    %c0_i32 = arith.constant 0 : i32
    %c0_i32_0 = arith.constant 0 : i32
    %c0_i32_1 = arith.constant 0 : i32
    return %c0_i32, %c0_i32_0 : i32, i32
  }
  func.func @transform_9(%arg0: i32) -> (i32, i32) {
    %c0_i32 = arith.constant 0 : i32
    %c0_i32_0 = arith.constant 0 : i32
    %c0_i32_1 = arith.constant 0 : i32
    return %c0_i32, %c0_i32_0 : i32, i32
  }
  func.func @transform_10(%arg0: i32) -> (i32, i32) {
    %c0_i32 = arith.constant 0 : i32
    %c0_i32_0 = arith.constant 0 : i32
    %c0_i32_1 = arith.constant 0 : i32
    return %c0_i32, %c0_i32_0 : i32, i32
  }
  func.func @transform_11(%arg0: i32) -> (i32, i32) {
    %c0_i32 = arith.constant 0 : i32
    %c0_i32_0 = arith.constant 0 : i32
    %c0_i32_1 = arith.constant 0 : i32
    return %c0_i32, %c0_i32_0 : i32, i32
  }
  func.func @transform_12(%arg0: i32) -> (i32, i32) {
    %c0_i32 = arith.constant 0 : i32
    %c0_i32_0 = arith.constant 0 : i32
    %c0_i32_1 = arith.constant 0 : i32
    return %c0_i32, %c0_i32_0 : i32, i32
  }
}

module attributes {stable_mosaic.version = 14 : i64} {
  func.func @_layer2_body(%arg0: i32, %arg1: memref<1x1024xi32, #tpu.memory_space<vmem>>, %arg2: memref<1024x16xf32, #tpu.memory_space<vmem>>, %arg3: memref<1024x128xf32, #tpu.memory_space<vmem>>, %arg4: memref<16x32xf32, #tpu.memory_space<vmem>>, %arg5: memref<1x32xf32, #tpu.memory_space<vmem>>, %arg6: memref<4096x256xf32, #tpu.memory_space<vmem>>, %arg7: memref<128x256xf32, #tpu.memory_space<vmem>>, %arg8: memref<2560x128xf32, #tpu.memory_space<vmem>>, %arg9: memref<128x256xf32, #tpu.memory_space<vmem>>, %arg10: memref<1x256xf32, #tpu.memory_space<vmem>>, %arg11: memref<1x256xf32, #tpu.memory_space<vmem>>, %arg12: memref<1x256xf32, #tpu.memory_space<vmem>>, %arg13: memref<1x2560xi32, #tpu.memory_space<vmem>>, %arg14: memref<256x128xf32, #tpu.memory_space<vmem>>, %arg15: memref<1x128xf32, #tpu.memory_space<vmem>>, %arg16: memref<128x128xf32, #tpu.memory_space<vmem>>, %arg17: memref<1x128xf32, #tpu.memory_space<vmem>>, %arg18: memref<128x128xf32, #tpu.memory_space<vmem>>, %arg19: memref<2560x256xf32, #tpu.memory_space<vmem>>) attributes {dimension_semantics = [#tpu.dimension_semantics<arbitrary>], iteration_bounds = array<i64: 10>, scalar_prefetch = 0 : i64, scratch_operands = 1 : i64, tpu.core_type = #tpu.core_type<tc>, window_params = [{transform_indices = @transform_0, window_bounds = array<i64: 1, 1024>}, {transform_indices = @transform_1, window_bounds = array<i64: 1024, 16>}, {transform_indices = @transform_2, window_bounds = array<i64: 1024, 128>}, {pipeline_mode = #tpu.pipeline_mode<synchronous>, transform_indices = @transform_3, window_bounds = array<i64: 16, 32>}, {pipeline_mode = #tpu.pipeline_mode<synchronous>, transform_indices = @transform_4, window_bounds = array<i64: 1, 32>}, {pipeline_mode = #tpu.pipeline_mode<synchronous>, transform_indices = @transform_5, window_bounds = array<i64: 4096, 256>}, {pipeline_mode = #tpu.pipeline_mode<synchronous>, transform_indices = @transform_6, window_bounds = array<i64: 128, 256>}, {pipeline_mode = #tpu.pipeline_mode<synchronous>, transform_indices = @transform_7, window_bounds = array<i64: 2560, 128>}, {pipeline_mode = #tpu.pipeline_mode<synchronous>, transform_indices = @transform_8, window_bounds = array<i64: 128, 256>}, {pipeline_mode = #tpu.pipeline_mode<synchronous>, transform_indices = @transform_9, window_bounds = array<i64: 1, 256>}, {pipeline_mode = #tpu.pipeline_mode<synchronous>, transform_indices = @transform_10, window_bounds = array<i64: 1, 256>}, {pipeline_mode = #tpu.pipeline_mode<synchronous>, transform_indices = @transform_11, window_bounds = array<i64: 1, 256>}, {pipeline_mode = #tpu.pipeline_mode<synchronous>, transform_indices = @transform_12, window_bounds = array<i64: 1, 2560>}, {pipeline_mode = #tpu.pipeline_mode<synchronous>, transform_indices = @transform_13, window_bounds = array<i64: 256, 128>}, {pipeline_mode = #tpu.pipeline_mode<synchronous>, transform_indices = @transform_14, window_bounds = array<i64: 1, 128>}, {pipeline_mode = #tpu.pipeline_mode<synchronous>, transform_indices = @transform_15, window_bounds = array<i64: 128, 128>}, {pipeline_mode = #tpu.pipeline_mode<synchronous>, transform_indices = @transform_16, window_bounds = array<i64: 1, 128>}, {pipeline_mode = #tpu.pipeline_mode<synchronous>, transform_indices = @transform_17, window_bounds = array<i64: 128, 128>}]} {
    %get3A = arith.constant 0 : index
    %get3A_0 = arith.constant 0 : index
    %get3A_1 = vector.load %arg2[%get3A, %get3A_0] : memref<1024x16xf32, #tpu.memory_space<vmem>>, vector<1024x16xf32>
    %get3A_2 = arith.constant 0 : index
    %get3A_3 = arith.constant 0 : index
    %get3A_4 = vector.load %arg3[%get3A_2, %get3A_3] : memref<1024x128xf32, #tpu.memory_space<vmem>>, vector<1024x128xf32>
    %get3A_5 = arith.constant 0 : index
    %get3A_6 = arith.constant 0 : index
    %get3A_7 = vector.load %arg4[%get3A_5, %get3A_6] : memref<16x32xf32, #tpu.memory_space<vmem>>, vector<16x32xf32>
    %get3A_8 = arith.constant 0 : index
    %get3A_9 = arith.constant 0 : index
    %get3A_10 = vector.load %arg5[%get3A_8, %get3A_9] : memref<1x32xf32, #tpu.memory_space<vmem>>, vector<1x32xf32>
    %get3A_11 = arith.constant 0 : index
    %get3A_12 = arith.constant 0 : index
    %get3A_13 = vector.load %arg6[%get3A_11, %get3A_12] : memref<4096x256xf32, #tpu.memory_space<vmem>>, vector<4096x256xf32>
    %get3A_14 = arith.constant 0 : index
    %get3A_15 = arith.constant 0 : index
    %get3A_16 = vector.load %arg7[%get3A_14, %get3A_15] : memref<128x256xf32, #tpu.memory_space<vmem>>, vector<128x256xf32>
    %dot_general3A = arith.constant dense<0.000000e+00> : vector<1024x32xf32>
    %dot_general3A_17 = tpu.matmul %get3A_1, %get3A_7, %dot_general3A {dimension_numbers = #tpu.dot_dimension_numbers<[1], [0], [0], [1], [0, 0, 1, 1], [], []>, transpose_lhs_hint = false} : vector<1024x16xf32>, vector<16x32xf32>, vector<1024x32xf32> -> vector<1024x32xf32>
    %add3A = vector.broadcast %get3A_10 : vector<1x32xf32> to vector<1024x32xf32>
    %add3A_18 = arith.addf %dot_general3A_17, %add3A : vector<1024x32xf32>
    %max3A = arith.constant 0.000000e+00 : f32
    %max3A_19 = vector.broadcast %max3A : f32 to vector<1024x32xf32>
    %max3A_20 = arith.maximumf %add3A_18, %max3A_19 : vector<1024x32xf32>
    %slice3A = vector.extract_strided_slice %max3A_20 {offsets = [0, 0], sizes = [1024, 1], strides = [1, 1]} : vector<1024x32xf32> to vector<1024x1xf32>
    %mul3A = vector.broadcast %slice3A : vector<1024x1xf32> to vector<1024x128xf32>
    %mul3A_21 = arith.mulf %mul3A, %get3A_4 : vector<1024x128xf32>
    %slice3A_22 = vector.extract_strided_slice %max3A_20 {offsets = [0, 1], sizes = [1024, 1], strides = [1, 1]} : vector<1024x32xf32> to vector<1024x1xf32>
    %mul3A_23 = vector.broadcast %slice3A_22 : vector<1024x1xf32> to vector<1024x128xf32>
    %mul3A_24 = arith.mulf %mul3A_23, %get3A_4 : vector<1024x128xf32>
    %slice3A_25 = vector.extract_strided_slice %max3A_20 {offsets = [0, 2], sizes = [1024, 1], strides = [1, 1]} : vector<1024x32xf32> to vector<1024x1xf32>
    %mul3A_26 = vector.broadcast %slice3A_25 : vector<1024x1xf32> to vector<1024x128xf32>
    %mul3A_27 = arith.mulf %mul3A_26, %get3A_4 : vector<1024x128xf32>
    %slice3A_28 = vector.extract_strided_slice %max3A_20 {offsets = [0, 3], sizes = [1024, 1], strides = [1, 1]} : vector<1024x32xf32> to vector<1024x1xf32>
    %mul3A_29 = vector.broadcast %slice3A_28 : vector<1024x1xf32> to vector<1024x128xf32>
    %mul3A_30 = arith.mulf %mul3A_29, %get3A_4 : vector<1024x128xf32>
    %slice3A_31 = vector.extract_strided_slice %max3A_20 {offsets = [0, 4], sizes = [1024, 1], strides = [1, 1]} : vector<1024x32xf32> to vector<1024x1xf32>
    %mul3A_32 = vector.broadcast %slice3A_31 : vector<1024x1xf32> to vector<1024x128xf32>
    %mul3A_33 = arith.mulf %mul3A_32, %get3A_4 : vector<1024x128xf32>
    %slice3A_34 = vector.extract_strided_slice %max3A_20 {offsets = [0, 5], sizes = [1024, 1], strides = [1, 1]} : vector<1024x32xf32> to vector<1024x1xf32>
    %mul3A_35 = vector.broadcast %slice3A_34 : vector<1024x1xf32> to vector<1024x128xf32>
    %mul3A_36 = arith.mulf %mul3A_35, %get3A_4 : vector<1024x128xf32>
    %slice3A_37 = vector.extract_strided_slice %max3A_20 {offsets = [0, 6], sizes = [1024, 1], strides = [1, 1]} : vector<1024x32xf32> to vector<1024x1xf32>
    %mul3A_38 = vector.broadcast %slice3A_37 : vector<1024x1xf32> to vector<1024x128xf32>
    %mul3A_39 = arith.mulf %mul3A_38, %get3A_4 : vector<1024x128xf32>
    %slice3A_40 = vector.extract_strided_slice %max3A_20 {offsets = [0, 7], sizes = [1024, 1], strides = [1, 1]} : vector<1024x32xf32> to vector<1024x1xf32>
    %mul3A_41 = vector.broadcast %slice3A_40 : vector<1024x1xf32> to vector<1024x128xf32>
    %mul3A_42 = arith.mulf %mul3A_41, %get3A_4 : vector<1024x128xf32>
    %slice3A_43 = vector.extract_strided_slice %max3A_20 {offsets = [0, 8], sizes = [1024, 1], strides = [1, 1]} : vector<1024x32xf32> to vector<1024x1xf32>
    %mul3A_44 = vector.broadcast %slice3A_43 : vector<1024x1xf32> to vector<1024x128xf32>
    %mul3A_45 = arith.mulf %mul3A_44, %get3A_4 : vector<1024x128xf32>
    %slice3A_46 = vector.extract_strided_slice %max3A_20 {offsets = [0, 9], sizes = [1024, 1], strides = [1, 1]} : vector<1024x32xf32> to vector<1024x1xf32>
    %mul3A_47 = vector.broadcast %slice3A_46 : vector<1024x1xf32> to vector<1024x128xf32>
    %mul3A_48 = arith.mulf %mul3A_47, %get3A_4 : vector<1024x128xf32>
    %slice3A_49 = vector.extract_strided_slice %max3A_20 {offsets = [0, 10], sizes = [1024, 1], strides = [1, 1]} : vector<1024x32xf32> to vector<1024x1xf32>
    %mul3A_50 = vector.broadcast %slice3A_49 : vector<1024x1xf32> to vector<1024x128xf32>
    %mul3A_51 = arith.mulf %mul3A_50, %get3A_4 : vector<1024x128xf32>
    %slice3A_52 = vector.extract_strided_slice %max3A_20 {offsets = [0, 11], sizes = [1024, 1], strides = [1, 1]} : vector<1024x32xf32> to vector<1024x1xf32>
    %mul3A_53 = vector.broadcast %slice3A_52 : vector<1024x1xf32> to vector<1024x128xf32>
    %mul3A_54 = arith.mulf %mul3A_53, %get3A_4 : vector<1024x128xf32>
    %slice3A_55 = vector.extract_strided_slice %max3A_20 {offsets = [0, 12], sizes = [1024, 1], strides = [1, 1]} : vector<1024x32xf32> to vector<1024x1xf32>
    %mul3A_56 = vector.broadcast %slice3A_55 : vector<1024x1xf32> to vector<1024x128xf32>
    %mul3A_57 = arith.mulf %mul3A_56, %get3A_4 : vector<1024x128xf32>
    %slice3A_58 = vector.extract_strided_slice %max3A_20 {offsets = [0, 13], sizes = [1024, 1], strides = [1, 1]} : vector<1024x32xf32> to vector<1024x1xf32>
    %mul3A_59 = vector.broadcast %slice3A_58 : vector<1024x1xf32> to vector<1024x128xf32>
    %mul3A_60 = arith.mulf %mul3A_59, %get3A_4 : vector<1024x128xf32>
    %slice3A_61 = vector.extract_strided_slice %max3A_20 {offsets = [0, 14], sizes = [1024, 1], strides = [1, 1]} : vector<1024x32xf32> to vector<1024x1xf32>
    %mul3A_62 = vector.broadcast %slice3A_61 : vector<1024x1xf32> to vector<1024x128xf32>
    %mul3A_63 = arith.mulf %mul3A_62, %get3A_4 : vector<1024x128xf32>
    %slice3A_64 = vector.extract_strided_slice %max3A_20 {offsets = [0, 15], sizes = [1024, 1], strides = [1, 1]} : vector<1024x32xf32> to vector<1024x1xf32>
    %mul3A_65 = vector.broadcast %slice3A_64 : vector<1024x1xf32> to vector<1024x128xf32>
    %mul3A_66 = arith.mulf %mul3A_65, %get3A_4 : vector<1024x128xf32>
    %slice3A_67 = vector.extract_strided_slice %max3A_20 {offsets = [0, 16], sizes = [1024, 1], strides = [1, 1]} : vector<1024x32xf32> to vector<1024x1xf32>
    %mul3A_68 = vector.broadcast %slice3A_67 : vector<1024x1xf32> to vector<1024x128xf32>
    %mul3A_69 = arith.mulf %mul3A_68, %get3A_4 : vector<1024x128xf32>
    %slice3A_70 = vector.extract_strided_slice %max3A_20 {offsets = [0, 17], sizes = [1024, 1], strides = [1, 1]} : vector<1024x32xf32> to vector<1024x1xf32>
    %mul3A_71 = vector.broadcast %slice3A_70 : vector<1024x1xf32> to vector<1024x128xf32>
    %mul3A_72 = arith.mulf %mul3A_71, %get3A_4 : vector<1024x128xf32>
    %slice3A_73 = vector.extract_strided_slice %max3A_20 {offsets = [0, 18], sizes = [1024, 1], strides = [1, 1]} : vector<1024x32xf32> to vector<1024x1xf32>
    %mul3A_74 = vector.broadcast %slice3A_73 : vector<1024x1xf32> to vector<1024x128xf32>
    %mul3A_75 = arith.mulf %mul3A_74, %get3A_4 : vector<1024x128xf32>
    %slice3A_76 = vector.extract_strided_slice %max3A_20 {offsets = [0, 19], sizes = [1024, 1], strides = [1, 1]} : vector<1024x32xf32> to vector<1024x1xf32>
    %mul3A_77 = vector.broadcast %slice3A_76 : vector<1024x1xf32> to vector<1024x128xf32>
    %mul3A_78 = arith.mulf %mul3A_77, %get3A_4 : vector<1024x128xf32>
    %slice3A_79 = vector.extract_strided_slice %max3A_20 {offsets = [0, 20], sizes = [1024, 1], strides = [1, 1]} : vector<1024x32xf32> to vector<1024x1xf32>
    %mul3A_80 = vector.broadcast %slice3A_79 : vector<1024x1xf32> to vector<1024x128xf32>
    %mul3A_81 = arith.mulf %mul3A_80, %get3A_4 : vector<1024x128xf32>
    %slice3A_82 = vector.extract_strided_slice %max3A_20 {offsets = [0, 21], sizes = [1024, 1], strides = [1, 1]} : vector<1024x32xf32> to vector<1024x1xf32>
    %mul3A_83 = vector.broadcast %slice3A_82 : vector<1024x1xf32> to vector<1024x128xf32>
    %mul3A_84 = arith.mulf %mul3A_83, %get3A_4 : vector<1024x128xf32>
    %slice3A_85 = vector.extract_strided_slice %max3A_20 {offsets = [0, 22], sizes = [1024, 1], strides = [1, 1]} : vector<1024x32xf32> to vector<1024x1xf32>
    %mul3A_86 = vector.broadcast %slice3A_85 : vector<1024x1xf32> to vector<1024x128xf32>
    %mul3A_87 = arith.mulf %mul3A_86, %get3A_4 : vector<1024x128xf32>
    %slice3A_88 = vector.extract_strided_slice %max3A_20 {offsets = [0, 23], sizes = [1024, 1], strides = [1, 1]} : vector<1024x32xf32> to vector<1024x1xf32>
    %mul3A_89 = vector.broadcast %slice3A_88 : vector<1024x1xf32> to vector<1024x128xf32>
    %mul3A_90 = arith.mulf %mul3A_89, %get3A_4 : vector<1024x128xf32>
    %slice3A_91 = vector.extract_strided_slice %max3A_20 {offsets = [0, 24], sizes = [1024, 1], strides = [1, 1]} : vector<1024x32xf32> to vector<1024x1xf32>
    %mul3A_92 = vector.broadcast %slice3A_91 : vector<1024x1xf32> to vector<1024x128xf32>
    %mul3A_93 = arith.mulf %mul3A_92, %get3A_4 : vector<1024x128xf32>
    %slice3A_94 = vector.extract_strided_slice %max3A_20 {offsets = [0, 25], sizes = [1024, 1], strides = [1, 1]} : vector<1024x32xf32> to vector<1024x1xf32>
    %mul3A_95 = vector.broadcast %slice3A_94 : vector<1024x1xf32> to vector<1024x128xf32>
    %mul3A_96 = arith.mulf %mul3A_95, %get3A_4 : vector<1024x128xf32>
    %slice3A_97 = vector.extract_strided_slice %max3A_20 {offsets = [0, 26], sizes = [1024, 1], strides = [1, 1]} : vector<1024x32xf32> to vector<1024x1xf32>
    %mul3A_98 = vector.broadcast %slice3A_97 : vector<1024x1xf32> to vector<1024x128xf32>
    %mul3A_99 = arith.mulf %mul3A_98, %get3A_4 : vector<1024x128xf32>
    %slice3A_100 = vector.extract_strided_slice %max3A_20 {offsets = [0, 27], sizes = [1024, 1], strides = [1, 1]} : vector<1024x32xf32> to vector<1024x1xf32>
    %mul3A_101 = vector.broadcast %slice3A_100 : vector<1024x1xf32> to vector<1024x128xf32>
    %mul3A_102 = arith.mulf %mul3A_101, %get3A_4 : vector<1024x128xf32>
    %slice3A_103 = vector.extract_strided_slice %max3A_20 {offsets = [0, 28], sizes = [1024, 1], strides = [1, 1]} : vector<1024x32xf32> to vector<1024x1xf32>
    %mul3A_104 = vector.broadcast %slice3A_103 : vector<1024x1xf32> to vector<1024x128xf32>
    %mul3A_105 = arith.mulf %mul3A_104, %get3A_4 : vector<1024x128xf32>
    %slice3A_106 = vector.extract_strided_slice %max3A_20 {offsets = [0, 29], sizes = [1024, 1], strides = [1, 1]} : vector<1024x32xf32> to vector<1024x1xf32>
    %mul3A_107 = vector.broadcast %slice3A_106 : vector<1024x1xf32> to vector<1024x128xf32>
    %mul3A_108 = arith.mulf %mul3A_107, %get3A_4 : vector<1024x128xf32>
    %slice3A_109 = vector.extract_strided_slice %max3A_20 {offsets = [0, 30], sizes = [1024, 1], strides = [1, 1]} : vector<1024x32xf32> to vector<1024x1xf32>
    %mul3A_110 = vector.broadcast %slice3A_109 : vector<1024x1xf32> to vector<1024x128xf32>
    %mul3A_111 = arith.mulf %mul3A_110, %get3A_4 : vector<1024x128xf32>
    %slice3A_112 = vector.extract_strided_slice %max3A_20 {offsets = [0, 31], sizes = [1024, 1], strides = [1, 1]} : vector<1024x32xf32> to vector<1024x1xf32>
    %mul3A_113 = vector.broadcast %slice3A_112 : vector<1024x1xf32> to vector<1024x128xf32>
    %mul3A_114 = arith.mulf %mul3A_113, %get3A_4 : vector<1024x128xf32>
    %concatenate3A = tpu.concatenate %mul3A_21, %mul3A_24, %mul3A_27, %mul3A_30, %mul3A_33, %mul3A_36, %mul3A_39, %mul3A_42, %mul3A_45, %mul3A_48, %mul3A_51, %mul3A_54, %mul3A_57, %mul3A_60, %mul3A_63, %mul3A_66, %mul3A_69, %mul3A_72, %mul3A_75, %mul3A_78, %mul3A_81, %mul3A_84, %mul3A_87, %mul3A_90, %mul3A_93, %mul3A_96, %mul3A_99, %mul3A_102, %mul3A_105, %mul3A_108, %mul3A_111, %mul3A_114 in 1 : vector<1024x128xf32>, vector<1024x128xf32>, vector<1024x128xf32>, vector<1024x128xf32>, vector<1024x128xf32>, vector<1024x128xf32>, vector<1024x128xf32>, vector<1024x128xf32>, vector<1024x128xf32>, vector<1024x128xf32>, vector<1024x128xf32>, vector<1024x128xf32>, vector<1024x128xf32>, vector<1024x128xf32>, vector<1024x128xf32>, vector<1024x128xf32>, vector<1024x128xf32>, vector<1024x128xf32>, vector<1024x128xf32>, vector<1024x128xf32>, vector<1024x128xf32>, vector<1024x128xf32>, vector<1024x128xf32>, vector<1024x128xf32>, vector<1024x128xf32>, vector<1024x128xf32>, vector<1024x128xf32>, vector<1024x128xf32>, vector<1024x128xf32>, vector<1024x128xf32>, vector<1024x128xf32>, vector<1024x128xf32> -> vector<1024x4096xf32>
    %dot_general3A_115 = arith.constant dense<0.000000e+00> : vector<1024x256xf32>
    %dot_general3A_116 = tpu.matmul %concatenate3A, %get3A_13, %dot_general3A_115 {dimension_numbers = #tpu.dot_dimension_numbers<[1], [0], [0], [1], [0, 0, 1, 1], [], []>, transpose_lhs_hint = false} : vector<1024x4096xf32>, vector<4096x256xf32>, vector<1024x256xf32> -> vector<1024x256xf32>
    %dot_general3A_117 = arith.constant dense<0.000000e+00> : vector<1024x256xf32>
    %dot_general3A_118 = tpu.matmul %get3A_4, %get3A_16, %dot_general3A_117 {dimension_numbers = #tpu.dot_dimension_numbers<[1], [0], [0], [1], [0, 0, 1, 1], [], []>, transpose_lhs_hint = false} : vector<1024x128xf32>, vector<128x256xf32>, vector<1024x256xf32> -> vector<1024x256xf32>
    %add3A_119 = arith.addf %dot_general3A_116, %dot_general3A_118 : vector<1024x256xf32>
    %mul3A_120 = arith.constant 1024 : i32
    %mul3A_121 = arith.muli %arg0, %mul3A_120 : i32
    %iota3A = tpu.iota {dimensions = array<i32: 0>} : vector<1024x256xi32>
    %add3A_122 = vector.broadcast %mul3A_121 : i32 to vector<1024x256xi32>
    %add3A_123 = arith.addi %add3A_122, %iota3A : vector<1024x256xi32>
    %iota3A_124 = tpu.iota {dimensions = array<i32: 1>} : vector<1024x256xi32>
    %lt3A = arith.constant 10000 : i32
    %lt3A_125 = vector.broadcast %lt3A : i32 to vector<1024x256xi32>
    %lt3A_126 = arith.cmpi slt, %add3A_123, %lt3A_125 : vector<1024x256xi32>
    %convert_element_type3A = arith.extui %lt3A_126 : vector<1024x256xi1> to vector<1024x256xi32>
    %convert_element_type3A_127 = arith.sitofp %convert_element_type3A : vector<1024x256xi32> to vector<1024x256xf32>
    %eq3A = arith.constant 210 : i32
    %eq3A_128 = vector.broadcast %eq3A : i32 to vector<1024x256xi32>
    %eq3A_129 = arith.cmpi eq, %iota3A_124, %eq3A_128 : vector<1024x256xi32>
    %mul3A_130 = arith.mulf %add3A_119, %convert_element_type3A_127 : vector<1024x256xf32>
    %select_n3A = arith.select %eq3A_129, %convert_element_type3A_127, %mul3A_130 : vector<1024x256xi1>, vector<1024x256xf32>
    %get3A_131 = arith.constant 0 : index
    %get3A_132 = arith.constant 0 : index
    %get3A_133 = vector.load %arg1[%get3A_131, %get3A_132] : memref<1x1024xi32, #tpu.memory_space<vmem>>, vector<1x1024xi32>
    %eq3A_134 = arith.constant 0 : i32
    %eq3A_135 = arith.cmpi eq, %arg0, %eq3A_134 : i32
    %convert_element_type3A_136 = arith.extui %eq3A_135 : i1 to i32
    %cond3A = arith.constant 0 : i32
    %cond3A_137 = arith.cmpi ne, %convert_element_type3A_136, %cond3A : i32
    scf.if %cond3A_137 {
      %broadcast_in_dim3A = arith.constant 0.000000e+00 : f32
      %broadcast_in_dim3A_156 = vector.broadcast %broadcast_in_dim3A : f32 to vector<2560x256xf32>
      %swap3A_157 = arith.constant 0 : index
      %swap3A_158 = arith.constant 0 : index
      %swap3A_159 = vector.load %arg19[%swap3A_157, %swap3A_158] : memref<2560x256xf32, #tpu.memory_space<vmem>>, vector<2560x256xf32>
      tpu.vector_store %arg19[%swap3A_157, %swap3A_158], %broadcast_in_dim3A_156 {strides = array<i32>} : memref<2560x256xf32, #tpu.memory_space<vmem>>, vector<2560x256xf32>,
    } else {
    }
    %iota3A_138 = tpu.iota {dimensions = array<i32: 0>} : vector<2560x1024xi32>
    %eq3A_139 = vector.broadcast %get3A_133 : vector<1x1024xi32> to vector<2560x1024xi32>
    %eq3A_140 = arith.cmpi eq, %iota3A_138, %eq3A_139 : vector<2560x1024xi32>
    %convert_element_type3A_141 = arith.extui %eq3A_140 : vector<2560x1024xi1> to vector<2560x1024xi32>
    %convert_element_type3A_142 = arith.sitofp %convert_element_type3A_141 : vector<2560x1024xi32> to vector<2560x1024xf32>
    %get3A_143 = arith.constant 0 : index
    %get3A_144 = arith.constant 0 : index
    %get3A_145 = vector.load %arg19[%get3A_143, %get3A_144] : memref<2560x256xf32, #tpu.memory_space<vmem>>, vector<2560x256xf32>
    %dot_general3A_146 = arith.constant dense<0.000000e+00> : vector<2560x256xf32>
    %dot_general3A_147 = tpu.matmul %convert_element_type3A_142, %select_n3A, %dot_general3A_146 {dimension_numbers = #tpu.dot_dimension_numbers<[1], [0], [0], [1], [0, 0, 1, 1], [], []>, transpose_lhs_hint = false} : vector<2560x1024xf32>, vector<1024x256xf32>, vector<2560x256xf32> -> vector<2560x256xf32>
    %add3A_148 = arith.addf %get3A_145, %dot_general3A_147 : vector<2560x256xf32>
    %swap3A = arith.constant 0 : index
    %swap3A_149 = arith.constant 0 : index
    %swap3A_150 = vector.load %arg19[%swap3A, %swap3A_149] : memref<2560x256xf32, #tpu.memory_space<vmem>>, vector<2560x256xf32>
    tpu.vector_store %arg19[%swap3A, %swap3A_149], %add3A_148 {strides = array<i32>} : memref<2560x256xf32, #tpu.memory_space<vmem>>, vector<2560x256xf32>,
    %eq3A_151 = arith.constant 9 : i32
    %eq3A_152 = arith.cmpi eq, %arg0, %eq3A_151 : i32
    %convert_element_type3A_153 = arith.extui %eq3A_152 : i1 to i32
    %cond3A_154 = arith.constant 0 : i32
    %cond3A_155 = arith.cmpi ne, %convert_element_type3A_153, %cond3A_154 : i32
    scf.if %cond3A_155 {
      %get3A_156 = arith.constant 0 : index
      %get3A_157 = arith.constant 0 : index
      %get3A_158 = vector.load %arg19[%get3A_156, %get3A_157] : memref<2560x256xf32, #tpu.memory_space<vmem>>, vector<2560x256xf32>
      %iota3A_159 = tpu.iota {dimensions = array<i32: 0>} : vector<256x256xi32>
      %eq3A_160 = arith.constant 210 : i32
      %eq3A_161 = vector.broadcast %eq3A_160 : i32 to vector<256x256xi32>
      %eq3A_162 = arith.cmpi eq, %iota3A_159, %eq3A_161 : vector<256x256xi32>
      %convert_element_type3A_163 = arith.extui %eq3A_162 : vector<256x256xi1> to vector<256x256xi32>
      %convert_element_type3A_164 = arith.sitofp %convert_element_type3A_163 : vector<256x256xi32> to vector<256x256xf32>
      %dot_general3A_165 = arith.constant dense<0.000000e+00> : vector<2560x256xf32>
      %dot_general3A_166 = tpu.matmul %get3A_158, %convert_element_type3A_164, %dot_general3A_165 {dimension_numbers = #tpu.dot_dimension_numbers<[1], [0], [0], [1], [0, 0, 1, 1], [], []>, transpose_lhs_hint = false} : vector<2560x256xf32>, vector<256x256xf32>, vector<2560x256xf32> -> vector<2560x256xf32>
      %iota3A_167 = tpu.iota {dimensions = array<i32: 1>} : vector<2560x256xi32>
      %lt3A_168 = arith.constant 210 : i32
      %lt3A_169 = vector.broadcast %lt3A_168 : i32 to vector<2560x256xi32>
      %lt3A_170 = arith.cmpi slt, %iota3A_167, %lt3A_169 : vector<2560x256xi32>
      %jit3A = arith.constant 0.000000e+00 : f32
      %broadcast_in_dim3A = vector.broadcast %jit3A : f32 to vector<2560x256xf32>
      %select_n3A_171 = arith.select %lt3A_170, %get3A_158, %broadcast_in_dim3A : vector<2560x256xi1>, vector<2560x256xf32>
      %max3A_172 = arith.constant 1.000000e+00 : f32
      %max3A_173 = vector.broadcast %max3A_172 : f32 to vector<2560x256xf32>
      %max3A_174 = arith.maximumf %dot_general3A_166, %max3A_173 : vector<2560x256xf32>
      %div3A = arith.divf %select_n3A_171, %max3A_174 : vector<2560x256xf32>
      %get3A_175 = arith.constant 0 : index
      %get3A_176 = arith.constant 0 : index
      %get3A_177 = vector.load %arg8[%get3A_175, %get3A_176] : memref<2560x128xf32, #tpu.memory_space<vmem>>, vector<2560x128xf32>
      %get3A_178 = arith.constant 0 : index
      %get3A_179 = arith.constant 0 : index
      %get3A_180 = vector.load %arg9[%get3A_178, %get3A_179] : memref<128x256xf32, #tpu.memory_space<vmem>>, vector<128x256xf32>
      %dot_general3A_181 = arith.constant dense<0.000000e+00> : vector<2560x256xf32>
      %dot_general3A_182 = tpu.matmul %get3A_177, %get3A_180, %dot_general3A_181 {dimension_numbers = #tpu.dot_dimension_numbers<[1], [0], [0], [1], [0, 0, 1, 1], [], []>, transpose_lhs_hint = false} : vector<2560x128xf32>, vector<128x256xf32>, vector<2560x256xf32> -> vector<2560x256xf32>
      %add3A_183 = arith.addf %div3A, %dot_general3A_182 : vector<2560x256xf32>
      %get3A_184 = arith.constant 0 : index
      %get3A_185 = arith.constant 0 : index
      %get3A_186 = vector.load %arg10[%get3A_184, %get3A_185] : memref<1x256xf32, #tpu.memory_space<vmem>>, vector<1x256xf32>
      %add3A_187 = vector.broadcast %get3A_186 : vector<1x256xf32> to vector<2560x256xf32>
      %add3A_188 = arith.addf %add3A_183, %add3A_187 : vector<2560x256xf32>
      %max3A_189 = arith.constant 0.000000e+00 : f32
      %max3A_190 = vector.broadcast %max3A_189 : f32 to vector<2560x256xf32>
      %max3A_191 = arith.maximumf %add3A_188, %max3A_190 : vector<2560x256xf32>
      %get3A_192 = arith.constant 0 : index
      %get3A_193 = arith.constant 0 : index
      %get3A_194 = vector.load %arg11[%get3A_192, %get3A_193] : memref<1x256xf32, #tpu.memory_space<vmem>>, vector<1x256xf32>
      %get3A_195 = arith.constant 0 : index
      %get3A_196 = arith.constant 0 : index
      %get3A_197 = vector.load %arg12[%get3A_195, %get3A_196] : memref<1x256xf32, #tpu.memory_space<vmem>>, vector<1x256xf32>
      %reduce_sum3A = arith.constant dense<0.000000e+00> : vector<256xf32>
      %reduce_sum3A_198 = vector.multi_reduction <add>, %max3A_191, %reduce_sum3A [0] : vector<2560x256xf32> to vector<256xf32>
      %div3A_199 = arith.constant 2.560000e+03 : f32
      %div3A_200 = vector.broadcast %div3A_199 : f32 to vector<256xf32>
      %div3A_201 = arith.divf %reduce_sum3A_198, %div3A_200 : vector<256xf32>
      %jit3A_202 = arith.constant 0 : i32
      %reduce_sum3A_203 = arith.constant dense<0.000000e+00> : vector<256xf32>
      %reduce_sum3A_204 = vector.multi_reduction <add>, %max3A_191, %reduce_sum3A_203 [0] : vector<2560x256xf32> to vector<256xf32>
      %broadcast_in_dim3A_205 = vector.shape_cast %reduce_sum3A_204 : vector<256xf32> to vector<1x256xf32>
      %div3A_206 = arith.constant 2.560000e+03 : f32
      %div3A_207 = vector.broadcast %div3A_206 : f32 to vector<1x256xf32>
      %div3A_208 = arith.divf %broadcast_in_dim3A_205, %div3A_207 : vector<1x256xf32>
      %sub3A = vector.broadcast %div3A_208 : vector<1x256xf32> to vector<2560x256xf32>
      %sub3A_209 = arith.subf %max3A_191, %sub3A : vector<2560x256xf32>
      %square3A = arith.mulf %sub3A_209, %sub3A_209 : vector<2560x256xf32>
      %convert_element_type3A_210 = arith.sitofp %jit3A_202 : i32 to f32
      %sub3A_211 = arith.constant 2.560000e+03 : f32
      %sub3A_212 = arith.subf %sub3A_211, %convert_element_type3A_210 : f32
      %reduce_sum3A_213 = arith.constant dense<0.000000e+00> : vector<256xf32>
      %reduce_sum3A_214 = vector.multi_reduction <add>, %square3A, %reduce_sum3A_213 [0] : vector<2560x256xf32> to vector<256xf32>
      %div3A_215 = vector.broadcast %sub3A_212 : f32 to vector<256xf32>
      %div3A_216 = arith.divf %reduce_sum3A_214, %div3A_215 : vector<256xf32>
      %gt3A = arith.constant 0.000000e+00 : f32
      %gt3A_217 = arith.cmpf ogt, %sub3A_212, %gt3A : f32
      %jit3A_218 = arith.constant 0x7FC00000 : f32
      %broadcast_in_dim3A_219 = vector.broadcast %jit3A_218 : f32 to vector<256xf32>
      %select_n3A_220 = arith.select %gt3A_217, %div3A_216, %broadcast_in_dim3A_219 : vector<256xf32>
      %broadcast_in_dim3A_221 = vector.shape_cast %div3A_201 : vector<256xf32> to vector<1x256xf32>
      %sub3A_222 = vector.broadcast %broadcast_in_dim3A_221 : vector<1x256xf32> to vector<2560x256xf32>
      %sub3A_223 = arith.subf %max3A_191, %sub3A_222 : vector<2560x256xf32>
      %add3A_224 = arith.constant 2.560000e+02 : f32
      %add3A_225 = vector.broadcast %add3A_224 : f32 to vector<256xf32>
      %add3A_226 = arith.addf %select_n3A_220, %add3A_225 : vector<256xf32>
      %sqrt3A = math.sqrt %add3A_226 : vector<256xf32>
      %broadcast_in_dim3A_227 = vector.shape_cast %sqrt3A : vector<256xf32> to vector<1x256xf32>
      %div3A_228 = vector.broadcast %broadcast_in_dim3A_227 : vector<1x256xf32> to vector<2560x256xf32>
      %div3A_229 = arith.divf %sub3A_223, %div3A_228 : vector<2560x256xf32>
      %mul3A_230 = vector.broadcast %get3A_194 : vector<1x256xf32> to vector<2560x256xf32>
      %mul3A_231 = arith.mulf %div3A_229, %mul3A_230 : vector<2560x256xf32>
      %add3A_232 = vector.broadcast %get3A_197 : vector<1x256xf32> to vector<2560x256xf32>
      %add3A_233 = arith.addf %mul3A_231, %add3A_232 : vector<2560x256xf32>
      %iota3A_234 = tpu.iota {dimensions = array<i32: 0>} : vector<128x2560xi32>
      %get3A_235 = arith.constant 0 : index
      %get3A_236 = arith.constant 0 : index
      %get3A_237 = vector.load %arg13[%get3A_235, %get3A_236] : memref<1x2560xi32, #tpu.memory_space<vmem>>, vector<1x2560xi32>
      %eq3A_238 = vector.broadcast %get3A_237 : vector<1x2560xi32> to vector<128x2560xi32>
      %eq3A_239 = arith.cmpi eq, %iota3A_234, %eq3A_238 : vector<128x2560xi32>
      %convert_element_type3A_240 = arith.extui %eq3A_239 : vector<128x2560xi1> to vector<128x2560xi32>
      %convert_element_type3A_241 = arith.sitofp %convert_element_type3A_240 : vector<128x2560xi32> to vector<128x2560xf32>
      %dot_general3A_242 = arith.constant dense<0.000000e+00> : vector<128x256xf32>
      %dot_general3A_243 = tpu.matmul %convert_element_type3A_241, %add3A_233, %dot_general3A_242 {dimension_numbers = #tpu.dot_dimension_numbers<[1], [0], [0], [1], [0, 0, 1, 1], [], []>, transpose_lhs_hint = false} : vector<128x2560xf32>, vector<2560x256xf32>, vector<128x256xf32> -> vector<128x256xf32>
      %reduce_sum3A_244 = arith.constant dense<0.000000e+00> : vector<128xf32>
      %reduce_sum3A_245 = vector.multi_reduction <add>, %convert_element_type3A_241, %reduce_sum3A_244 [1] : vector<128x2560xf32> to vector<128xf32>
      %broadcast_in_dim3A_246 = vector.shape_cast %reduce_sum3A_245 : vector<128xf32> to vector<128x1xf32>
      %max3A_247 = arith.constant 1.000000e+00 : f32
      %max3A_248 = vector.broadcast %max3A_247 : f32 to vector<128x1xf32>
      %max3A_249 = arith.maximumf %broadcast_in_dim3A_246, %max3A_248 : vector<128x1xf32>
      %div3A_250 = vector.broadcast %max3A_249 : vector<128x1xf32> to vector<128x256xf32>
      %div3A_251 = arith.divf %dot_general3A_243, %div3A_250 : vector<128x256xf32>
      %get3A_252 = arith.constant 0 : index
      %get3A_253 = arith.constant 0 : index
      %get3A_254 = vector.load %arg14[%get3A_252, %get3A_253] : memref<256x128xf32, #tpu.memory_space<vmem>>, vector<256x128xf32>
      %dot_general3A_255 = arith.constant dense<0.000000e+00> : vector<128x128xf32>
      %dot_general3A_256 = tpu.matmul %div3A_251, %get3A_254, %dot_general3A_255 {dimension_numbers = #tpu.dot_dimension_numbers<[1], [0], [0], [1], [0, 0, 1, 1], [], []>, transpose_lhs_hint = false} : vector<128x256xf32>, vector<256x128xf32>, vector<128x128xf32> -> vector<128x128xf32>
      %get3A_257 = arith.constant 0 : index
      %get3A_258 = arith.constant 0 : index
      %get3A_259 = vector.load %arg15[%get3A_257, %get3A_258] : memref<1x128xf32, #tpu.memory_space<vmem>>, vector<1x128xf32>
      %add3A_260 = vector.broadcast %get3A_259 : vector<1x128xf32> to vector<128x128xf32>
      %add3A_261 = arith.addf %dot_general3A_256, %add3A_260 : vector<128x128xf32>
      %max3A_262 = arith.constant 0.000000e+00 : f32
      %max3A_263 = vector.broadcast %max3A_262 : f32 to vector<128x128xf32>
      %max3A_264 = arith.maximumf %add3A_261, %max3A_263 : vector<128x128xf32>
      %get3A_265 = arith.constant 0 : index
      %get3A_266 = arith.constant 0 : index
      %get3A_267 = vector.load %arg16[%get3A_265, %get3A_266] : memref<128x128xf32, #tpu.memory_space<vmem>>, vector<128x128xf32>
      %dot_general3A_268 = arith.constant dense<0.000000e+00> : vector<128x128xf32>
      %dot_general3A_269 = tpu.matmul %max3A_264, %get3A_267, %dot_general3A_268 {dimension_numbers = #tpu.dot_dimension_numbers<[1], [0], [0], [1], [0, 0, 1, 1], [], []>, transpose_lhs_hint = false} : vector<128x128xf32>, vector<128x128xf32>, vector<128x128xf32> -> vector<128x128xf32>
      %get3A_270 = arith.constant 0 : index
      %get3A_271 = arith.constant 0 : index
      %get3A_272 = vector.load %arg17[%get3A_270, %get3A_271] : memref<1x128xf32, #tpu.memory_space<vmem>>, vector<1x128xf32>
      %add3A_273 = vector.broadcast %get3A_272 : vector<1x128xf32> to vector<128x128xf32>
      %add3A_274 = arith.addf %dot_general3A_269, %add3A_273 : vector<128x128xf32>
      %swap3A_275 = arith.constant 0 : index
      %swap3A_276 = arith.constant 0 : index
      %swap3A_277 = vector.load %arg18[%swap3A_275, %swap3A_276] : memref<128x128xf32, #tpu.memory_space<vmem>>, vector<128x128xf32>
      tpu.vector_store %arg18[%swap3A_275, %swap3A_276], %add3A_274 {strides = array<i32>} : memref<128x128xf32, #tpu.memory_space<vmem>>, vector<128x128xf32>,
    } else {
    }
    return
  }
  func.func @transform_0(%arg0: i32) -> (i32, i32) {
    %c0_i32 = arith.constant 0 : i32
    %c0_i32_0 = arith.constant 0 : i32
    return %c0_i32, %arg0 : i32, i32
  }
  func.func @transform_1(%arg0: i32) -> (i32, i32) {
    %c0_i32 = arith.constant 0 : i32
    %c0_i32_0 = arith.constant 0 : i32
    return %arg0, %c0_i32 : i32, i32
  }
  func.func @transform_2(%arg0: i32) -> (i32, i32) {
    %c0_i32 = arith.constant 0 : i32
    %c0_i32_0 = arith.constant 0 : i32
    return %arg0, %c0_i32 : i32, i32
  }
  func.func @transform_3(%arg0: i32) -> (i32, i32) {
    %c0_i32 = arith.constant 0 : i32
    %c0_i32_0 = arith.constant 0 : i32
    %c0_i32_1 = arith.constant 0 : i32
    return %c0_i32, %c0_i32_0 : i32, i32
  }
  func.func @transform_4(%arg0: i32) -> (i32, i32) {
    %c0_i32 = arith.constant 0 : i32
    %c0_i32_0 = arith.constant 0 : i32
    %c0_i32_1 = arith.constant 0 : i32
    return %c0_i32, %c0_i32_0 : i32, i32
  }
  func.func @transform_5(%arg0: i32) -> (i32, i32) {
    %c0_i32 = arith.constant 0 : i32
    %c0_i32_0 = arith.constant 0 : i32
    %c0_i32_1 = arith.constant 0 : i32
    return %c0_i32, %c0_i32_0 : i32, i32
  }
  func.func @transform_6(%arg0: i32) -> (i32, i32) {
    %c0_i32 = arith.constant 0 : i32
    %c0_i32_0 = arith.constant 0 : i32
    %c0_i32_1 = arith.constant 0 : i32
    return %c0_i32, %c0_i32_0 : i32, i32
  }
  func.func @transform_7(%arg0: i32) -> (i32, i32) {
    %c0_i32 = arith.constant 0 : i32
    %c0_i32_0 = arith.constant 0 : i32
    %c0_i32_1 = arith.constant 0 : i32
    return %c0_i32, %c0_i32_0 : i32, i32
  }
  func.func @transform_8(%arg0: i32) -> (i32, i32) {
    %c0_i32 = arith.constant 0 : i32
    %c0_i32_0 = arith.constant 0 : i32
    %c0_i32_1 = arith.constant 0 : i32
    return %c0_i32, %c0_i32_0 : i32, i32
  }
  func.func @transform_9(%arg0: i32) -> (i32, i32) {
    %c0_i32 = arith.constant 0 : i32
    %c0_i32_0 = arith.constant 0 : i32
    %c0_i32_1 = arith.constant 0 : i32
    return %c0_i32, %c0_i32_0 : i32, i32
  }
  func.func @transform_10(%arg0: i32) -> (i32, i32) {
    %c0_i32 = arith.constant 0 : i32
    %c0_i32_0 = arith.constant 0 : i32
    %c0_i32_1 = arith.constant 0 : i32
    return %c0_i32, %c0_i32_0 : i32, i32
  }
  func.func @transform_11(%arg0: i32) -> (i32, i32) {
    %c0_i32 = arith.constant 0 : i32
    %c0_i32_0 = arith.constant 0 : i32
    %c0_i32_1 = arith.constant 0 : i32
    return %c0_i32, %c0_i32_0 : i32, i32
  }
  func.func @transform_12(%arg0: i32) -> (i32, i32) {
    %c0_i32 = arith.constant 0 : i32
    %c0_i32_0 = arith.constant 0 : i32
    %c0_i32_1 = arith.constant 0 : i32
    return %c0_i32, %c0_i32_0 : i32, i32
  }
  func.func @transform_13(%arg0: i32) -> (i32, i32) {
    %c0_i32 = arith.constant 0 : i32
    %c0_i32_0 = arith.constant 0 : i32
    %c0_i32_1 = arith.constant 0 : i32
    return %c0_i32, %c0_i32_0 : i32, i32
  }
  func.func @transform_14(%arg0: i32) -> (i32, i32) {
    %c0_i32 = arith.constant 0 : i32
    %c0_i32_0 = arith.constant 0 : i32
    %c0_i32_1 = arith.constant 0 : i32
    return %c0_i32, %c0_i32_0 : i32, i32
  }
  func.func @transform_15(%arg0: i32) -> (i32, i32) {
    %c0_i32 = arith.constant 0 : i32
    %c0_i32_0 = arith.constant 0 : i32
    %c0_i32_1 = arith.constant 0 : i32
    return %c0_i32, %c0_i32_0 : i32, i32
  }
  func.func @transform_16(%arg0: i32) -> (i32, i32) {
    %c0_i32 = arith.constant 0 : i32
    %c0_i32_0 = arith.constant 0 : i32
    %c0_i32_1 = arith.constant 0 : i32
    return %c0_i32, %c0_i32_0 : i32, i32
  }
  func.func @transform_17(%arg0: i32) -> (i32, i32) {
    %c0_i32 = arith.constant 0 : i32
    %c0_i32_0 = arith.constant 0 : i32
    %c0_i32_1 = arith.constant 0 : i32
    return %c0_i32, %c0_i32_0 : i32, i32
  }
}

</mosaic_0001>

<sc_bundles>
// kernel: kernel.6.cloned.1.call-start
scs
__scs_entry_jumppad:
0x0: {  	(pc) =	sbr.rel $0x88, $3  }
0x1: {  	(tag) =	ssettag $0x0;
	lr =	simm.s32 $0x1  }
0x2: {  	[smem:$0x3F89] =	sst lr;
	_ =	strace $0xD0000000  }
0x3: {  	_ = 	snop  }
0x4: {  	_ = 	snop  }
0x5: {  	_ = 	snop  }
0x6: {  	_ = 	snop  }
0x7: {  	_ = 	snop  }
__scs_overlays_trampoline_lowered:
0x8: {  	[smem:$0x3F98] =	sst s0  }
0x9: {  	[smem:$0x3F99] =	sst s1  }
0xa: {  	[smem:$0x3F9A] =	sst s2  }
0xb: {  	[smem:$0x3F9B] =	sst s3  }
0xc: {  	[smem:$0x3F9C] =	sst s4  }
0xd: {  	[smem:$0x3F9D] =	sst s5  }
0xe: {  	[smem:$0x3F9E] =	sst s6  }
0xf: {  	[smem:$0x3F9F] =	sst s7  }
0x10: {  	[smem:$0x3FA0] =	sst s8  }
0x11: {  	[smem:$0x3FA1] =	sst s9;
	s0 =	simm.s32 @!p0 $0x0  }
0x12: {  	s1 =	sld [smem:$0x3F87];
	s0 =	simm.s32 @p0 $0x1  }
0x13: {  	[smem:$0x3FA2] =	sst s0;
	s0 =	simm.s32 @!p1 $0x0  }
0x14: {  	s2 =	sld [smem:$0x3F86];
	s0 =	simm.s32 @p1 $0x1  }
0x15: {  	[smem:$0x3FA3] =	sst s0;
	s0 =	simm.s32 @!p2 $0x0  }
0x16: {  	s3 =	sld [smem:$0x3FDB];
	s0 =	simm.s32 @p2 $0x1  }
0x17: {  	s4 =	simm.s32 $0x1BF5;
	[smem:$0x3FA5] =	sst s0  }
0x18: {  	s0 =	sld [smem:$0x3F88];
	_ =	swait.ge [sflag:s4], $0x0  }
0x19: {  	s7 =	sld [smem:$0x3F89]  }
0x1a: {  	s8 =	sadd.s32 $0xFFFFE003, lr  }
0x1b: {  	s9 =	sadd.s32 $0xFFFFFEF7, lr;
	s5 =	simm.s32 $0xFFFFFFFF;
	p2 =	slt.u32 s8, $0xFFFFF086  }
0x1c: {  	p1 =	slt.u32 s9, $0xF7A;
	s5 =	simm.s32 @!p2 $0x0  }
0x1d: {  	s5 =	simm.s32 @p1 $0x1;
	p0 =	seq.s32 s7, s2  }
0x1e: {  	s7 =	smul.u32 @!p0 $0xF7A, s2;
	p2 =	seq.s32 @!p0 s5, $0x0  }
0x1f: {  	s9 =	smul.u32 $0xF7A, s1;
	s8 =	simm.s32 @!p0 $0x1BF5;
	p2 =	por !p2, p0  }
0x20: {  	[sflag:s8] =	ssyncset.s32 @!p0 $0xFFFFF086;
	s6 =	sadd.s32 @!p0 s3, s7;
	s7 =	simm.s32 @!p0 $0x108  }
0x21: {  	s3 =	sadd.s32 s3, s9;
	s6 =	sadd.s32 @!p0 $0x88, s6;
	s7 =	simm.s32 @p2 $0x1082  }
0x22: {  	[simem:s7], [sflag:s8] =	dma.local @!p0 [hbm:s6], $0xF7A  }
0x23: {  	s9 =	sor.u32 $0xD0000000, s2;
	s6 =	simm.s32 $0x108;
	_ =	swait.ge @!p0 [sflag:s8], $0x0  }
0x24: {  	s3 =	sadd.s32 $0x88, s3;
	s6 =	simm.s32 @!p1 $0x1082;
	[sflag:s4] =	ssyncset.s32 $0xFFFFF086  }
0x25: {  	[simem:s6], [sflag:s4] =	dma.local [hbm:s3], $0xF7A  }
0x26: {  	[smem:$0x3F89] =	sst s1;
	(tag) =	ssettag s2;
	_ =	strace s9  }
0x27: {  	s1 =	sld [smem:$0x3F99]  }
0x28: {  	s2 =	sld [smem:$0x3F9A]  }
0x29: {  	s4 =	sld [smem:$0x3F9C]  }
0x2a: {  	p0 =	seq.s32 s5, $0x0;
	s5 =	sld [smem:$0x3F9D]  }
0x2b: {  	s6 =	sld [smem:$0x3F9E]  }
0x2c: {  	s7 =	sld [smem:$0x3F9F]  }
0x2d: {  	s3 =	simm.s32 $0x108;
	s8 =	sld [smem:$0x3FA0]  }
0x2e: {  	s3 =	simm.s32 @!p0 $0x1082;
	s9 =	sld [smem:$0x3FA1]  }
0x2f: {  	lr =	sadd.s32 s0, s3;
	s0 =	sld [smem:$0x3F98]  }
0x30: {  	s3 =	sld [smem:$0x3F9B]  }
0x31: {  	[smem:$0x3FA4] =	sst s10  }
0x32: {  	s10 =	sld [smem:$0x3FA2];
	_ =	sdelay $0x3  }
0x33: {  	p0 =	seq.s32 s10, $0x1;
	s10 =	sld [smem:$0x3FA4];
	_ =	sdelay $0x3  }
0x34: {  	[smem:$0x3FA4] =	sst s10  }
0x35: {  	s10 =	sld [smem:$0x3FA3];
	_ =	sdelay $0x3  }
0x36: {  	p1 =	seq.s32 s10, $0x1;
	s10 =	sld [smem:$0x3FA4];
	_ =	sdelay $0x3  }
0x37: {  	[smem:$0x3FA4] =	sst s10  }
0x38: {  	s10 =	sld [smem:$0x3FA5]  }
0x39: {  	_ = 	snop;
	(pc) =	sbr.ind lr, $3  }
0x3a: {  	_ = 	snop  }
0x3b: {  	_ = 	snop  }
0x3c: {  	p2 =	seq.s32 s10, $0x1;
	s10 =	sld [smem:$0x3FA4]  }
0x3d: {  	_ =	shalt  }
0x3e: {  	_ =	shalt  }
0x3f: {  	_ =	shalt  }
0x40: {  	_ =	shalt  }
0x41: {  	_ =	shalt  }
0x42: {  	_ =	shalt  }
0x43: {  	_ =	shalt  }
0x44: {  	_ =	shalt  }
0x45: {  	_ =	shalt  }
0x46: {  	_ =	shalt  }
0x47: {  	_ =	shalt  }
0x48: {  	_ =	shalt  }
0x49: {  	_ =	shalt  }
0x4a: {  	_ =	shalt  }
0x4b: {  	_ =	shalt  }
0x4c: {  	_ =	shalt  }
0x4d: {  	_ =	shalt  }
0x4e: {  	_ =	shalt  }
0x4f: {  	_ =	shalt  }
0x50: {  	_ =	shalt  }
0x51: {  	_ =	shalt  }
0x52: {  	_ =	shalt  }
0x53: {  	_ =	shalt  }
0x54: {  	_ =	shalt  }
0x55: {  	_ =	shalt  }
0x56: {  	_ =	shalt  }
0x57: {  	_ =	shalt  }
0x58: {  	_ =	shalt  }
0x59: {  	_ =	shalt  }
0x5a: {  	_ =	shalt  }
0x5b: {  	_ =	shalt  }
0x5c: {  	_ =	shalt  }
0x5d: {  	_ =	shalt  }
0x5e: {  	_ =	shalt  }
0x5f: {  	_ =	shalt  }
0x60: {  	_ =	shalt  }
0x61: {  	_ =	shalt  }
0x62: {  	_ =	shalt  }
0x63: {  	_ =	shalt  }
0x64: {  	_ =	shalt  }
0x65: {  	_ =	shalt  }
0x66: {  	_ =	shalt  }
0x67: {  	_ =	shalt  }
0x68: {  	_ =	shalt  }
0x69: {  	_ =	shalt  }
0x6a: {  	_ =	shalt  }
0x6b: {  	_ =	shalt  }
0x6c: {  	_ =	shalt  }
0x6d: {  	_ =	shalt  }
0x6e: {  	_ =	shalt  }
0x6f: {  	_ =	shalt  }
0x70: {  	_ =	shalt  }
0x71: {  	_ =	shalt  }
0x72: {  	_ =	shalt  }
0x73: {  	_ =	shalt  }
0x74: {  	_ =	shalt  }
0x75: {  	_ =	shalt  }
0x76: {  	_ =	shalt  }
0x77: {  	_ =	shalt  }
0x78: {  	_ =	shalt  }
0x79: {  	_ =	shalt  }
0x7a: {  	_ =	shalt  }
0x7b: {  	_ =	shalt  }
0x7c: {  	_ =	shalt  }
0x7d: {  	_ =	shalt  }
0x7e: {  	_ =	shalt  }
0x7f: {  	_ =	shalt  }
0x80: {  	_ =	shalt  }
0x81: {  	_ =	shalt  }
0x82: {  	_ =	shalt  }
0x83: {  	_ =	shalt  }
0x84: {  	_ =	shalt  }
0x85: {  	_ =	shalt  }
0x86: {  	_ =	shalt  }
0x87: {  	_ =	shalt  }
.Lfunc_end0:
.L_simem_size_0:
called_computation_lowered:
.L_overlay_start_0:
0x88: {  	s2 =	sld [smem:$0x3FD9]  }
0x89: {  	s3 =	sld [smem:$0x3FFE];
	_ =	sdelay $0x1  }
0x8a: {  	s1 =	srdreg.scid  }
0x8b: {  	s0 =	sand.u32 $0x1, s1  }
0x8c: {  	s16 =	sshll.u32 s0, $0xA;
	s2 =	sadd.s32 s3, s2  }
0x8d: {  	s2 =	sadd.s32 s2, s16  }
0x8e: {  	[smem:$0x3FB0] =	sst s2  }
0x8f: {  	_ = 	snop  }
0x90: {  	(tm) =	ssettm $0x1  }
0x91: {  	s17 =	sld [smem:$0x3FFB];
	_ =	sdelay $0x3  }
0x92: {  	_ =	strace s17  }
0x93: {  	s2 =	sld [smem:$0x3FFC];
	_ =	sdelay $0x3  }
0x94: {  	_ =	strace s2  }
0x95: {  	s2 =	sld [smem:$0x3FFD];
	_ =	sdelay $0x3  }
0x96: {  	_ =	strace s2  }
0x97: {  	_ =	strace $0x8FFFFFFF  }
0x98: {  	s18 =	sld [smem:$0x3FDB];
	_ =	sdelay $0x1  }
0x99: {  	s19 =	simm.s32 $_scs_section_size  }
0x9a: {  	s4 =	simm.s32 $_size__tile_overlayer_lowered;
	s5 =	simm.s32 $_tile_overlayer_lowered  }
0x9b: {  	s22 =	simm.s32 $0x1BFF;
	s21 =	sshll.u32 s5, $0x1;
	s2 =	sadd.s32 s19, s18  }
0x9c: {  	s6 =	simm.s32 $0x0;
	s20 =	sshll.u32 s4, $0x1;
	s4 =	sadd.s32 s21, s2  }
0x9d: {  	[timem:s6], [sflag:s22] =	dma.local [hbm:s4], s20  }
0x9e: {  	_ =	swait.ge [sflag:s22], s20  }
0x9f: {  	s3 =	ssub.s32 $0x0, s20;
	[sflag:s22] =	ssyncset.done $0x0  }
0xa0: {  	[sflag:s22] =	ssyncadd.s32 s3;
	_ =	sdelay $0x1  }
0xa1: {  	s23 =	simm.s32 $0x1B8B  }
0xa2: {  	_ =	swait.ge [sflag:s23], $0x1  }
0xa3: {  	[sflag:s23] =	ssyncset.done $0x0  }
0xa4: {  	s25 =	simm.s32 $0x1B8E;
	s24 =	sld [smem:$0x3FFE];
	[sflag:s23] =	ssyncadd.s32 $0xFFFFFFFF  }
0xa5: {  	s26 =	simm.s32 $execute0_lowered;
	[smem:$0x3FD2] =	sst s25  }
0xa6: {  	s4 =	sshll.u32 s26, $0x1;
	_ =	strace $0x80000046;
	[dreg:$0x1] =	wrdreg $0xFFFFFFFF  }
0xa7: {  	s28 =	simm.s32 $_size_execute0_lowered;
	s2 =	sadd.s32 s2, s4;
	[dreg:$0x0] =	wrdreg $0x0  }
0xa8: {  	s4 =	sshll.u32 s28, $0x1;
	[dreg:$0x2] =	wrdreg s2  }
0xa9: {  	[dreg:$0x3] =	wrdreg s4  }
0xaa: {  	[dreg:$0x4] =	wrdreg $0xC0  }
0xab: {  	_ =	task [dreg:s6], $0x5FFFF  }
0xac: {  	[dreg:$0x1] =	wrdreg $0xFFFFFFFF  }
0xad: {  	[dreg:$0x0] =	wrdreg $0x60  }
0xae: {  	[dreg:$0x2] =	wrdreg s24  }
0xaf: {  	[dreg:$0x3] =	wrdreg $0x9  }
0xb0: {  	_ =	task.clear_ibuf [dreg:s6], $0x4FFFF;
	_ =	strace $0x90000046  }
0xb1: {  	s29 =	simm.s32 $0x9;
	_ =	strace $0x80000048  }
0xb2: {  	_ =	swait.ge [sflag:s29], $0x1  }
0xb3: {  	[sflag:s29] =	ssyncadd.s32 $0xFFFFFFFF  }
0xb4: {  	_ =	strace $0x90000048  }
0xb5: {  	_ =	sfence  }
0xb6: {  	s30 =	sld [smem:$0x0];
	_ =	sdelay $0x2  }
0xb7: {  	s31 =	sshll.u32 s1, $0xD;
	s1 =	sshrl.u32 s1, $0x2  }
0xb8: {  	s3 =	sand.u32 $0x4000, s31;
	s1 =	sadd.s32 s1, s30  }
0xb9: {  	s0 =	sor.u32 s3, s0;
	s1 =	sshll.u32 s1, $0x11  }
0xba: {  	s0 =	sor.u32 s1, s0  }
0xbb: {  	s0 =	sadd.s32 $0x8F2B, s0  }
0xbc: {  	[sflag:s0] =	ssyncadd.remote.s32 $0x1  }
0xbd: {  	_ =	sfence.sel $0xFFFF  }
0xbe: {  	[dreg:$0x0] =	wrdreg $0xFFFFFFFF;
	(pc) =	sbr.abs _section_cstart, $3  }
0xbf: {  	[dreg:$0x1] =	wrdreg $0xFFFFFFFF  }
0xc0: {  	_ =	task.clear_ibuf [dreg:s6], $0x2FFFF;
	_ =	strace $0x9FFFFFFF  }
0xc1: {  	(tm) =	ssettm $0x7FFFFFFF  }
tec
execute0_lowered:
.L_overlay_start_1:
0x0: {  	(tag) =	ssettag $0x1  }
0x1: {  	s1 =	srdreg.scid;
	s0 =	stileid.u32  }
0x2: {  	s23 =	sand.u32 $0x1, s1;
	s31 =	sshll.u32 s0, $0x1  }
0x3: {  	s18 =	sor.u32 s23, s31  }
0x4: {  	s17 =	rddreg [dreg:$0x0];
	s2 =	simm.s32 $0x0;
	s3 =	sshll.u32 s18, $0x7  }
0x5: {  	s4 =	simm.s32 $0x3;
	[smem:$0x7FF] =	sst s2;
	s3 =	sadd.s32 s3, s17  }
0x6: {  	s1 =	rddreg [dreg:$0x1];
	_ =	strace $0x80000047;
	s3 =	sadd.s32 $0x3000, s3  }
0x7: {  	[tilespmem:s2], [sflag:$0x3] =	stream.linear.gather [hbm4b:s3+s2], $0x280, $0x38;
	[tilespmem:$0xA400] =	vst v63  }
0x8: {  	_ =	swait.ge [sflag:s4], $0x280  }
0x9: {  	s6 =	simm.s32 $0x40;
	[sflag:s4] =	ssyncset.done $0x0  }
0xa: {  	s7 =	simm.s32 $0x400;
	s5 =	sadd.s32 $0x4000, s17;
	[sflag:s4] =	ssyncadd.s32 $0xFFFFFD80  }
0xb: {  	[tilespmem:s7], [sflag:$0x1] =	stream.indirect.gather [hbm4b:s5+s6], $0x80, s2, s6, $0xb8;
	[tilespmem:$0xA400] =	vst v63  }
0xc: {  	s8 =	simm.s32 $0x80;
	s9 =	simm.s32 $0x2400  }
0xd: {  	[tilespmem:s9], [sflag:$0x1] =	stream.indirect.gather [hbm4b:s5+s6], $0x80, s8, s6, $0xb8;
	[tilespmem:$0xA400] =	vst v63  }
0xe: {  	s10 =	simm.s32 $0x100;
	s11 =	simm.s32 $0x4400  }
0xf: {  	[tilespmem:s11], [sflag:$0x1] =	stream.indirect.gather [hbm4b:s5+s6], $0x80, s10, s6, $0xb8;
	[tilespmem:$0xA400] =	vst v63  }
0x10: {  	s12 =	simm.s32 $0x180;
	s13 =	simm.s32 $0x6400  }
0x11: {  	[tilespmem:s13], [sflag:$0x1] =	stream.indirect.gather [hbm4b:s5+s6], $0x80, s12, s6, $0xb8;
	[tilespmem:$0xA400] =	vst v63  }
0x12: {  	s14 =	simm.s32 $0x200;
	s15 =	simm.s32 $0x8400;
	s16 =	simm.s32 $0x1  }
0x13: {  	[tilespmem:s15], [sflag:$0x1] =	stream.indirect.gather [hbm4b:s5+s6], $0x80, s14, s6, $0xb8;
	[tilespmem:$0xA400] =	vst v63  }
0x14: {  	s19 =	smul.u32 $0x1400, s18;
	_ =	swait.ge [sflag:s16], $0x2000  }
0x15: {  	s20 =	sadd.s32 $0xE000, s17;
	[sflag:s16] =	ssyncset.done $0x0  }
0x16: {  	s18 =	smul.u32 $0xA000, s18;
	s17 =	sadd.s32 s20, s19;
	[sflag:s16] =	ssyncadd.s32 $0xFFFFE000  }
0x17: {  	[hbm4b:s17+s2] =	stream.linear.scatter [tilespmem:s7], [sflag:$0x2], $0x2000, $0x38;
	[tilespmem:$0xA400] =	vst v63  }
0x18: {  	s18 =	sshrl.u32 s18, $0x3;
	_ =	swait.ge [sflag:s16], $0x2000  }
0x19: {  	s21 =	sadd.s32 s20, s18;
	[sflag:s16] =	ssyncset.done $0x0  }
0x1a: {  	s18 =	sadd.s32 $0x400, s21;
	[sflag:s16] =	ssyncadd.s32 $0xFFFFE000  }
0x1b: {  	[hbm4b:s18+s2] =	stream.linear.scatter [tilespmem:s9], [sflag:$0x2], $0x2000, $0x38;
	[tilespmem:$0xA400] =	vst v63  }
0x1c: {  	_ =	swait.ge [sflag:s16], $0x2000  }
0x1d: {  	[sflag:s16] =	ssyncset.done $0x0  }
0x1e: {  	s19 =	sadd.s32 $0x800, s21;
	[sflag:s16] =	ssyncadd.s32 $0xFFFFE000  }
0x1f: {  	[hbm4b:s19+s2] =	stream.linear.scatter [tilespmem:s11], [sflag:$0x2], $0x2000, $0x38;
	[tilespmem:$0xA400] =	vst v63  }
0x20: {  	_ =	swait.ge [sflag:s16], $0x2000  }
0x21: {  	[sflag:s16] =	ssyncset.done $0x0  }
0x22: {  	s20 =	sadd.s32 $0xC00, s21;
	[sflag:s16] =	ssyncadd.s32 $0xFFFFE000  }
0x23: {  	[hbm4b:s20+s2] =	stream.linear.scatter [tilespmem:s13], [sflag:$0x2], $0x2000, $0x38;
	[tilespmem:$0xA400] =	vst v63  }
0x24: {  	_ =	swait.ge [sflag:s16], $0x2000  }
0x25: {  	[sflag:s16] =	ssyncset.done $0x0  }
0x26: {  	s22 =	sadd.s32 $0x1000, s21;
	s21 =	simm.s32 $0x2;
	[sflag:s16] =	ssyncadd.s32 $0xFFFFE000  }
0x27: {  	[hbm4b:s22+s2] =	stream.linear.scatter [tilespmem:s15], [sflag:$0x2], $0x2000, $0x38;
	[tilespmem:$0xA400] =	vst v63  }
0x28: {  	_ =	swait.ge [sflag:s21], $0x2000  }
0x29: {  	[sflag:s21] =	ssyncset.done $0x0  }
0x2a: {  	[sflag:s21] =	ssyncadd.s32 $0xFFFFE000  }
0x2b: {  	_ =	swait.ge [sflag:s21], $0x2000  }
0x2c: {  	s23 =	ssub.s32 $0x2, s23;
	[sflag:s21] =	ssyncset.done $0x0  }
0x2d: {  	s24 =	sshrl.u32 s23, $0x1;
	[sflag:s21] =	ssyncadd.s32 $0xFFFFE000  }
0x2e: {  	s23 =	ssub.s32 s23, s24;
	_ =	swait.ge [sflag:s21], $0x2000  }
0x2f: {  	s23 =	smax.u32 s23, $0x1;
	[sflag:s21] =	ssyncset.done $0x0  }
0x30: {  	p0 =	sne.s32 s23, $0x1;
	[sflag:s21] =	ssyncadd.s32 $0xFFFFE000  }
.Ltmp0:
0x31: {  	_ =	swait.ge [sflag:s21], $0x2000;
	(pc) =	sbr.rel @!p0 .LBB2_2-.Ltmp0, $4  }
0x32: {  	[sflag:s21] =	ssyncset.done $0x0  }
0x33: {  	[sflag:s21] =	ssyncadd.s32 $0xFFFFE000  }
0x34: {  	_ =	swait.ge [sflag:s21], $0x2000  }
0x35: {  	s23 =	sadd.s32 $0xFFFFFFFF, s23;
	[sflag:s21] =	ssyncset.done $0x0  }
.LBB2_1:
0x36: {  	p0 =	sne.s32 s23, $0x1;
	s23 =	sadd.s32 $0xFFFFFFFF, s23;
	[sflag:s21] =	ssyncadd.s32 $0xFFFFE000  }
0x37: {  	[tilespmem:s2], [sflag:$0x3] =	stream.linear.gather [hbm4b:s3+s2], $0x280, $0x38;
	[tilespmem:$0xA400] =	vst v63  }
0x38: {  	_ =	swait.ge [sflag:s4], $0x280  }
0x39: {  	[sflag:s4] =	ssyncset.done $0x0  }
0x3a: {  	[sflag:s4] =	ssyncadd.s32 $0xFFFFFD80  }
0x3b: {  	[tilespmem:s7], [sflag:$0x1] =	stream.indirect.gather [hbm4b:s5+s6], $0x80, s2, s6, $0xb8;
	[tilespmem:$0xA400] =	vst v63  }
0x3c: {  	_ = 	snop  }
0x3d: {  	[tilespmem:s9], [sflag:$0x1] =	stream.indirect.gather [hbm4b:s5+s6], $0x80, s8, s6, $0xb8;
	[tilespmem:$0xA400] =	vst v63  }
0x3e: {  	_ = 	snop  }
0x3f: {  	[tilespmem:s11], [sflag:$0x1] =	stream.indirect.gather [hbm4b:s5+s6], $0x80, s10, s6, $0xb8;
	[tilespmem:$0xA400] =	vst v63  }
0x40: {  	_ = 	snop  }
0x41: {  	[tilespmem:s13], [sflag:$0x1] =	stream.indirect.gather [hbm4b:s5+s6], $0x80, s12, s6, $0xb8;
	[tilespmem:$0xA400] =	vst v63  }
0x42: {  	_ = 	snop  }
0x43: {  	[tilespmem:s15], [sflag:$0x1] =	stream.indirect.gather [hbm4b:s5+s6], $0x80, s14, s6, $0xb8;
	[tilespmem:$0xA400] =	vst v63  }
0x44: {  	_ =	swait.ge [sflag:s16], $0x2000  }
0x45: {  	[sflag:s16] =	ssyncset.done $0x0  }
0x46: {  	[sflag:s16] =	ssyncadd.s32 $0xFFFFE000  }
0x47: {  	[hbm4b:s17+s2] =	stream.linear.scatter [tilespmem:s7], [sflag:$0x2], $0x2000, $0x38;
	[tilespmem:$0xA400] =	vst v63  }
0x48: {  	_ =	swait.ge [sflag:s16], $0x2000  }
0x49: {  	[sflag:s16] =	ssyncset.done $0x0  }
0x4a: {  	[sflag:s16] =	ssyncadd.s32 $0xFFFFE000  }
0x4b: {  	[hbm4b:s18+s2] =	stream.linear.scatter [tilespmem:s9], [sflag:$0x2], $0x2000, $0x38;
	[tilespmem:$0xA400] =	vst v63  }
0x4c: {  	_ =	swait.ge [sflag:s16], $0x2000  }
0x4d: {  	[sflag:s16] =	ssyncset.done $0x0  }
0x4e: {  	[sflag:s16] =	ssyncadd.s32 $0xFFFFE000  }
0x4f: {  	[hbm4b:s19+s2] =	stream.linear.scatter [tilespmem:s11], [sflag:$0x2], $0x2000, $0x38;
	[tilespmem:$0xA400] =	vst v63  }
0x50: {  	_ =	swait.ge [sflag:s16], $0x2000  }
0x51: {  	[sflag:s16] =	ssyncset.done $0x0  }
0x52: {  	[sflag:s16] =	ssyncadd.s32 $0xFFFFE000  }
0x53: {  	[hbm4b:s20+s2] =	stream.linear.scatter [tilespmem:s13], [sflag:$0x2], $0x2000, $0x38;
	[tilespmem:$0xA400] =	vst v63  }
0x54: {  	_ =	swait.ge [sflag:s16], $0x2000  }
0x55: {  	[sflag:s16] =	ssyncset.done $0x0  }
0x56: {  	[sflag:s16] =	ssyncadd.s32 $0xFFFFE000  }
0x57: {  	[hbm4b:s22+s2] =	stream.linear.scatter [tilespmem:s15], [sflag:$0x2], $0x2000, $0x38;
	[tilespmem:$0xA400] =	vst v63  }
0x58: {  	_ =	swait.ge [sflag:s21], $0x2000  }
0x59: {  	[sflag:s21] =	ssyncset.done $0x0  }
0x5a: {  	[sflag:s21] =	ssyncadd.s32 $0xFFFFE000  }
0x5b: {  	_ =	swait.ge [sflag:s21], $0x2000  }
0x5c: {  	[sflag:s21] =	ssyncset.done $0x0  }
0x5d: {  	[sflag:s21] =	ssyncadd.s32 $0xFFFFE000  }
0x5e: {  	_ =	swait.ge [sflag:s21], $0x2000  }
0x5f: {  	[sflag:s21] =	ssyncset.done $0x0  }
0x60: {  	[sflag:s21] =	ssyncadd.s32 $0xFFFFE000  }
.Ltmp1:
0x61: {  	_ =	swait.ge [sflag:s21], $0x2000;
	(pc) =	sbr.rel @p0 .LBB2_1-.Ltmp1, $4  }
0x62: {  	[sflag:s21] =	ssyncset.done $0x0  }
0x63: {  	[sflag:s21] =	ssyncadd.s32 $0xFFFFE000  }
0x64: {  	_ =	swait.ge [sflag:s21], $0x2000  }
0x65: {  	[sflag:s21] =	ssyncset.done $0x0  }
.LBB2_2:
0x66: {  	[sflag:s21] =	ssyncadd.s32 $0xFFFFE000  }
0x67: {  	_ =	sfence.sel $0x180000  }
0x68: {  	[bflag:$0x0] =	sbarrier.arrive $0xFFFF  }
0x69: {  	p0 =	sne.s32 s0, $0x0;
	_ =	strace $0x90000047  }
0x6a: {  	s0 =	sadd.s32 @!p0 $0x100000, s1;
	[bflag:$0x2] =	sbarrier.arrive $0xFFFF  }
0x6b: {  	[sflag:s0] =	ssyncadd.tile.s32 @!p0 $0x1;
	_ =	shalt  }
.Lfunc_end2:
_tile_overlayer_lowered:
.L_overlay_start_2:
0x6c: {  	(tag) =	ssettag $0x2  }
0x6d: {  	s0 =	rddreg [dreg:$0x0];
	s2 =	stileid.u32  }
0x6e: {  	s1 =	rddreg [dreg:$0x1];
	p0 =	sne.s32 s2, $0x0  }
0x6f: {  	s3 =	rddreg [dreg:$0x2];
	[bflag:$0x3] =	sbarrier.arrive $0xFFFF;
	s2 =	simm.s32 @!p0 $0x1C03  }
0x70: {  	[timem:s3], [sflag:s2] =	dma.local @!p0 [hbm:s0], s1  }
0x71: {  	s0 =	simm.s32 @!p0 $0x3  }
0x72: {  	_ =	swait.ge @!p0 [sflag:s0], s1  }
0x73: {  	s1 =	ssub.s32 @!p0 $0x0, s1;
	[sflag:s0] =	ssyncset.done @!p0 $0x0  }
0x74: {  	[sflag:s0] =	ssyncadd.s32 @!p0 s1  }
0x75: {  	[bflag:$0x3] =	sbarrier.arrive $0xFFFF  }
0x76: {  	_ =	shalt  }

// kernel: kernel.9.cloned.1.call-start
scs
__scs_entry_jumppad:
0x0: {  	(pc) =	sbr.rel $0x88, $3  }
0x1: {  	(tag) =	ssettag $0x0;
	lr =	simm.s32 $0x1  }
0x2: {  	[smem:$0x3F89] =	sst lr;
	_ =	strace $0xD0000000  }
0x3: {  	_ = 	snop  }
0x4: {  	_ = 	snop  }
0x5: {  	_ = 	snop  }
0x6: {  	_ = 	snop  }
0x7: {  	_ = 	snop  }
__scs_overlays_trampoline_lowered:
0x8: {  	[smem:$0x3F98] =	sst s0  }
0x9: {  	[smem:$0x3F99] =	sst s1  }
0xa: {  	[smem:$0x3F9A] =	sst s2  }
0xb: {  	[smem:$0x3F9B] =	sst s3  }
0xc: {  	[smem:$0x3F9C] =	sst s4  }
0xd: {  	[smem:$0x3F9D] =	sst s5  }
0xe: {  	[smem:$0x3F9E] =	sst s6  }
0xf: {  	[smem:$0x3F9F] =	sst s7  }
0x10: {  	[smem:$0x3FA0] =	sst s8  }
0x11: {  	[smem:$0x3FA1] =	sst s9;
	s0 =	simm.s32 @!p0 $0x0  }
0x12: {  	s1 =	sld [smem:$0x3F87];
	s0 =	simm.s32 @p0 $0x1  }
0x13: {  	[smem:$0x3FA2] =	sst s0;
	s0 =	simm.s32 @!p1 $0x0  }
0x14: {  	s2 =	sld [smem:$0x3F86];
	s0 =	simm.s32 @p1 $0x1  }
0x15: {  	[smem:$0x3FA3] =	sst s0;
	s0 =	simm.s32 @!p2 $0x0  }
0x16: {  	s3 =	sld [smem:$0x3FDB];
	s0 =	simm.s32 @p2 $0x1  }
0x17: {  	s4 =	simm.s32 $0x1BF5;
	[smem:$0x3FA5] =	sst s0  }
0x18: {  	s0 =	sld [smem:$0x3F88];
	_ =	swait.ge [sflag:s4], $0x0  }
0x19: {  	s7 =	sld [smem:$0x3F89]  }
0x1a: {  	s8 =	sadd.s32 $0xFFFFE003, lr  }
0x1b: {  	s9 =	sadd.s32 $0xFFFFFEF7, lr;
	s5 =	simm.s32 $0xFFFFFFFF;
	p2 =	slt.u32 s8, $0xFFFFF086  }
0x1c: {  	p1 =	slt.u32 s9, $0xF7A;
	s5 =	simm.s32 @!p2 $0x0  }
0x1d: {  	s5 =	simm.s32 @p1 $0x1;
	p0 =	seq.s32 s7, s2  }
0x1e: {  	s7 =	smul.u32 @!p0 $0xF7A, s2;
	p2 =	seq.s32 @!p0 s5, $0x0  }
0x1f: {  	s9 =	smul.u32 $0xF7A, s1;
	s8 =	simm.s32 @!p0 $0x1BF5;
	p2 =	por !p2, p0  }
0x20: {  	[sflag:s8] =	ssyncset.s32 @!p0 $0xFFFFF086;
	s6 =	sadd.s32 @!p0 s3, s7;
	s7 =	simm.s32 @!p0 $0x108  }
0x21: {  	s3 =	sadd.s32 s3, s9;
	s6 =	sadd.s32 @!p0 $0x88, s6;
	s7 =	simm.s32 @p2 $0x1082  }
0x22: {  	[simem:s7], [sflag:s8] =	dma.local @!p0 [hbm:s6], $0xF7A  }
0x23: {  	s9 =	sor.u32 $0xD0000000, s2;
	s6 =	simm.s32 $0x108;
	_ =	swait.ge @!p0 [sflag:s8], $0x0  }
0x24: {  	s3 =	sadd.s32 $0x88, s3;
	s6 =	simm.s32 @!p1 $0x1082;
	[sflag:s4] =	ssyncset.s32 $0xFFFFF086  }
0x25: {  	[simem:s6], [sflag:s4] =	dma.local [hbm:s3], $0xF7A  }
0x26: {  	[smem:$0x3F89] =	sst s1;
	(tag) =	ssettag s2;
	_ =	strace s9  }
0x27: {  	s1 =	sld [smem:$0x3F99]  }
0x28: {  	s2 =	sld [smem:$0x3F9A]  }
0x29: {  	s4 =	sld [smem:$0x3F9C]  }
0x2a: {  	p0 =	seq.s32 s5, $0x0;
	s5 =	sld [smem:$0x3F9D]  }
0x2b: {  	s6 =	sld [smem:$0x3F9E]  }
0x2c: {  	s7 =	sld [smem:$0x3F9F]  }
0x2d: {  	s3 =	simm.s32 $0x108;
	s8 =	sld [smem:$0x3FA0]  }
0x2e: {  	s3 =	simm.s32 @!p0 $0x1082;
	s9 =	sld [smem:$0x3FA1]  }
0x2f: {  	lr =	sadd.s32 s0, s3;
	s0 =	sld [smem:$0x3F98]  }
0x30: {  	s3 =	sld [smem:$0x3F9B]  }
0x31: {  	[smem:$0x3FA4] =	sst s10  }
0x32: {  	s10 =	sld [smem:$0x3FA2];
	_ =	sdelay $0x3  }
0x33: {  	p0 =	seq.s32 s10, $0x1;
	s10 =	sld [smem:$0x3FA4];
	_ =	sdelay $0x3  }
0x34: {  	[smem:$0x3FA4] =	sst s10  }
0x35: {  	s10 =	sld [smem:$0x3FA3];
	_ =	sdelay $0x3  }
0x36: {  	p1 =	seq.s32 s10, $0x1;
	s10 =	sld [smem:$0x3FA4];
	_ =	sdelay $0x3  }
0x37: {  	[smem:$0x3FA4] =	sst s10  }
0x38: {  	s10 =	sld [smem:$0x3FA5]  }
0x39: {  	_ = 	snop;
	(pc) =	sbr.ind lr, $3  }
0x3a: {  	_ = 	snop  }
0x3b: {  	_ = 	snop  }
0x3c: {  	p2 =	seq.s32 s10, $0x1;
	s10 =	sld [smem:$0x3FA4]  }
0x3d: {  	_ =	shalt  }
0x3e: {  	_ =	shalt  }
0x3f: {  	_ =	shalt  }
0x40: {  	_ =	shalt  }
0x41: {  	_ =	shalt  }
0x42: {  	_ =	shalt  }
0x43: {  	_ =	shalt  }
0x44: {  	_ =	shalt  }
0x45: {  	_ =	shalt  }
0x46: {  	_ =	shalt  }
0x47: {  	_ =	shalt  }
0x48: {  	_ =	shalt  }
0x49: {  	_ =	shalt  }
0x4a: {  	_ =	shalt  }
0x4b: {  	_ =	shalt  }
0x4c: {  	_ =	shalt  }
0x4d: {  	_ =	shalt  }
0x4e: {  	_ =	shalt  }
0x4f: {  	_ =	shalt  }
0x50: {  	_ =	shalt  }
0x51: {  	_ =	shalt  }
0x52: {  	_ =	shalt  }
0x53: {  	_ =	shalt  }
0x54: {  	_ =	shalt  }
0x55: {  	_ =	shalt  }
0x56: {  	_ =	shalt  }
0x57: {  	_ =	shalt  }
0x58: {  	_ =	shalt  }
0x59: {  	_ =	shalt  }
0x5a: {  	_ =	shalt  }
0x5b: {  	_ =	shalt  }
0x5c: {  	_ =	shalt  }
0x5d: {  	_ =	shalt  }
0x5e: {  	_ =	shalt  }
0x5f: {  	_ =	shalt  }
0x60: {  	_ =	shalt  }
0x61: {  	_ =	shalt  }
0x62: {  	_ =	shalt  }
0x63: {  	_ =	shalt  }
0x64: {  	_ =	shalt  }
0x65: {  	_ =	shalt  }
0x66: {  	_ =	shalt  }
0x67: {  	_ =	shalt  }
0x68: {  	_ =	shalt  }
0x69: {  	_ =	shalt  }
0x6a: {  	_ =	shalt  }
0x6b: {  	_ =	shalt  }
0x6c: {  	_ =	shalt  }
0x6d: {  	_ =	shalt  }
0x6e: {  	_ =	shalt  }
0x6f: {  	_ =	shalt  }
0x70: {  	_ =	shalt  }
0x71: {  	_ =	shalt  }
0x72: {  	_ =	shalt  }
0x73: {  	_ =	shalt  }
0x74: {  	_ =	shalt  }
0x75: {  	_ =	shalt  }
0x76: {  	_ =	shalt  }
0x77: {  	_ =	shalt  }
0x78: {  	_ =	shalt  }
0x79: {  	_ =	shalt  }
0x7a: {  	_ =	shalt  }
0x7b: {  	_ =	shalt  }
0x7c: {  	_ =	shalt  }
0x7d: {  	_ =	shalt  }
0x7e: {  	_ =	shalt  }
0x7f: {  	_ =	shalt  }
0x80: {  	_ =	shalt  }
0x81: {  	_ =	shalt  }
0x82: {  	_ =	shalt  }
0x83: {  	_ =	shalt  }
0x84: {  	_ =	shalt  }
0x85: {  	_ =	shalt  }
0x86: {  	_ =	shalt  }
0x87: {  	_ =	shalt  }
.Lfunc_end0:
.L_simem_size_0:
called_computation.1_lowered:
.L_overlay_start_0:
0x88: {  	s2 =	sld [smem:$0x3FD9]  }
0x89: {  	s3 =	sld [smem:$0x3FFE];
	_ =	sdelay $0x1  }
0x8a: {  	s1 =	srdreg.scid  }
0x8b: {  	s0 =	sand.u32 $0x1, s1  }
0x8c: {  	s16 =	sshll.u32 s0, $0xA;
	s2 =	sadd.s32 s3, s2  }
0x8d: {  	s2 =	sadd.s32 s2, s16  }
0x8e: {  	[smem:$0x3FB0] =	sst s2  }
0x8f: {  	_ = 	snop  }
0x90: {  	(tm) =	ssettm $0x1  }
0x91: {  	s17 =	sld [smem:$0x3FFB];
	_ =	sdelay $0x3  }
0x92: {  	_ =	strace s17  }
0x93: {  	s2 =	sld [smem:$0x3FFC];
	_ =	sdelay $0x3  }
0x94: {  	_ =	strace s2  }
0x95: {  	s2 =	sld [smem:$0x3FFD];
	_ =	sdelay $0x3  }
0x96: {  	_ =	strace s2  }
0x97: {  	_ =	strace $0x8FFFFFFF  }
0x98: {  	s18 =	sld [smem:$0x3FDB];
	_ =	sdelay $0x1  }
0x99: {  	s19 =	simm.s32 $_scs_section_size  }
0x9a: {  	s4 =	simm.s32 $_size__tile_overlayer_lowered;
	s5 =	simm.s32 $_tile_overlayer_lowered  }
0x9b: {  	s22 =	simm.s32 $0x1BFF;
	s21 =	sshll.u32 s5, $0x1;
	s2 =	sadd.s32 s19, s18  }
0x9c: {  	s6 =	simm.s32 $0x0;
	s20 =	sshll.u32 s4, $0x1;
	s4 =	sadd.s32 s21, s2  }
0x9d: {  	[timem:s6], [sflag:s22] =	dma.local [hbm:s4], s20  }
0x9e: {  	_ =	swait.ge [sflag:s22], s20  }
0x9f: {  	s3 =	ssub.s32 $0x0, s20;
	[sflag:s22] =	ssyncset.done $0x0  }
0xa0: {  	[sflag:s22] =	ssyncadd.s32 s3;
	_ =	sdelay $0x1  }
0xa1: {  	s23 =	simm.s32 $0x1B8B  }
0xa2: {  	_ =	swait.ge [sflag:s23], $0x1  }
0xa3: {  	[sflag:s23] =	ssyncset.done $0x0  }
0xa4: {  	s25 =	simm.s32 $0x1B8E;
	s24 =	sld [smem:$0x3FFE];
	[sflag:s23] =	ssyncadd.s32 $0xFFFFFFFF  }
0xa5: {  	s26 =	simm.s32 $execute0_lowered;
	[smem:$0x3FD2] =	sst s25  }
0xa6: {  	s4 =	sshll.u32 s26, $0x1;
	_ =	strace $0x80000049;
	[dreg:$0x1] =	wrdreg $0xFFFFFFFF  }
0xa7: {  	s28 =	simm.s32 $_size_execute0_lowered;
	s2 =	sadd.s32 s2, s4;
	[dreg:$0x0] =	wrdreg $0x0  }
0xa8: {  	s4 =	sshll.u32 s28, $0x1;
	[dreg:$0x2] =	wrdreg s2  }
0xa9: {  	[dreg:$0x3] =	wrdreg s4  }
0xaa: {  	[dreg:$0x4] =	wrdreg $0xC0  }
0xab: {  	_ =	task [dreg:s6], $0x5FFFF  }
0xac: {  	[dreg:$0x1] =	wrdreg $0xFFFFFFFF  }
0xad: {  	[dreg:$0x0] =	wrdreg $0x60  }
0xae: {  	[dreg:$0x2] =	wrdreg s24  }
0xaf: {  	[dreg:$0x3] =	wrdreg $0x9  }
0xb0: {  	_ =	task.clear_ibuf [dreg:s6], $0x4FFFF;
	_ =	strace $0x90000049  }
0xb1: {  	s29 =	simm.s32 $0x9;
	_ =	strace $0x8000004B  }
0xb2: {  	_ =	swait.ge [sflag:s29], $0x1  }
0xb3: {  	[sflag:s29] =	ssyncadd.s32 $0xFFFFFFFF  }
0xb4: {  	_ =	strace $0x9000004B  }
0xb5: {  	_ =	sfence  }
0xb6: {  	s30 =	sld [smem:$0x0];
	_ =	sdelay $0x2  }
0xb7: {  	s31 =	sshll.u32 s1, $0xD;
	s1 =	sshrl.u32 s1, $0x2  }
0xb8: {  	s3 =	sand.u32 $0x4000, s31;
	s1 =	sadd.s32 s1, s30  }
0xb9: {  	s0 =	sor.u32 s3, s0;
	s1 =	sshll.u32 s1, $0x11  }
0xba: {  	s0 =	sor.u32 s1, s0  }
0xbb: {  	s0 =	sadd.s32 $0x8F2B, s0  }
0xbc: {  	[sflag:s0] =	ssyncadd.remote.s32 $0x1  }
0xbd: {  	_ =	sfence.sel $0xFFFF  }
0xbe: {  	[dreg:$0x0] =	wrdreg $0xFFFFFFFF;
	(pc) =	sbr.abs _section_cstart, $3  }
0xbf: {  	[dreg:$0x1] =	wrdreg $0xFFFFFFFF  }
0xc0: {  	_ =	task.clear_ibuf [dreg:s6], $0x2FFFF;
	_ =	strace $0x9FFFFFFF  }
0xc1: {  	(tm) =	ssettm $0x7FFFFFFF  }
tec
execute0_lowered:
.L_overlay_start_1:
0x0: {  	(tag) =	ssettag $0x1  }
0x1: {  	s1 =	srdreg.scid;
	s0 =	stileid.u32  }
0x2: {  	s23 =	sand.u32 $0x1, s1;
	s31 =	sshll.u32 s0, $0x1  }
0x3: {  	s18 =	sor.u32 s23, s31  }
0x4: {  	s17 =	rddreg [dreg:$0x0];
	s2 =	simm.s32 $0x0;
	s3 =	sshll.u32 s18, $0x7  }
0x5: {  	s4 =	simm.s32 $0x3;
	[smem:$0x7FF] =	sst s2;
	s3 =	sadd.s32 s3, s17  }
0x6: {  	s1 =	rddreg [dreg:$0x1];
	_ =	strace $0x8000004A;
	s3 =	sadd.s32 $0x3000, s3  }
0x7: {  	[tilespmem:s2], [sflag:$0x3] =	stream.linear.gather [hbm4b:s3+s2], $0x280, $0x38;
	[tilespmem:$0xA400] =	vst v63  }
0x8: {  	_ =	swait.ge [sflag:s4], $0x280  }
0x9: {  	s6 =	simm.s32 $0x40;
	[sflag:s4] =	ssyncset.done $0x0  }
0xa: {  	s7 =	simm.s32 $0x400;
	s5 =	sadd.s32 $0x4000, s17;
	[sflag:s4] =	ssyncadd.s32 $0xFFFFFD80  }
0xb: {  	[tilespmem:s7], [sflag:$0x1] =	stream.indirect.gather [hbm4b:s5+s6], $0x80, s2, s6, $0xb8;
	[tilespmem:$0xA400] =	vst v63  }
0xc: {  	s8 =	simm.s32 $0x80;
	s9 =	simm.s32 $0x2400  }
0xd: {  	[tilespmem:s9], [sflag:$0x1] =	stream.indirect.gather [hbm4b:s5+s6], $0x80, s8, s6, $0xb8;
	[tilespmem:$0xA400] =	vst v63  }
0xe: {  	s10 =	simm.s32 $0x100;
	s11 =	simm.s32 $0x4400  }
0xf: {  	[tilespmem:s11], [sflag:$0x1] =	stream.indirect.gather [hbm4b:s5+s6], $0x80, s10, s6, $0xb8;
	[tilespmem:$0xA400] =	vst v63  }
0x10: {  	s12 =	simm.s32 $0x180;
	s13 =	simm.s32 $0x6400  }
0x11: {  	[tilespmem:s13], [sflag:$0x1] =	stream.indirect.gather [hbm4b:s5+s6], $0x80, s12, s6, $0xb8;
	[tilespmem:$0xA400] =	vst v63  }
0x12: {  	s14 =	simm.s32 $0x200;
	s15 =	simm.s32 $0x8400;
	s16 =	simm.s32 $0x1  }
0x13: {  	[tilespmem:s15], [sflag:$0x1] =	stream.indirect.gather [hbm4b:s5+s6], $0x80, s14, s6, $0xb8;
	[tilespmem:$0xA400] =	vst v63  }
0x14: {  	s19 =	smul.u32 $0x1400, s18;
	_ =	swait.ge [sflag:s16], $0x2000  }
0x15: {  	s20 =	sadd.s32 $0xE000, s17;
	[sflag:s16] =	ssyncset.done $0x0  }
0x16: {  	s18 =	smul.u32 $0xA000, s18;
	s17 =	sadd.s32 s20, s19;
	[sflag:s16] =	ssyncadd.s32 $0xFFFFE000  }
0x17: {  	[hbm4b:s17+s2] =	stream.linear.scatter [tilespmem:s7], [sflag:$0x2], $0x2000, $0x38;
	[tilespmem:$0xA400] =	vst v63  }
0x18: {  	s18 =	sshrl.u32 s18, $0x3;
	_ =	swait.ge [sflag:s16], $0x2000  }
0x19: {  	s21 =	sadd.s32 s20, s18;
	[sflag:s16] =	ssyncset.done $0x0  }
0x1a: {  	s18 =	sadd.s32 $0x400, s21;
	[sflag:s16] =	ssyncadd.s32 $0xFFFFE000  }
0x1b: {  	[hbm4b:s18+s2] =	stream.linear.scatter [tilespmem:s9], [sflag:$0x2], $0x2000, $0x38;
	[tilespmem:$0xA400] =	vst v63  }
0x1c: {  	_ =	swait.ge [sflag:s16], $0x2000  }
0x1d: {  	[sflag:s16] =	ssyncset.done $0x0  }
0x1e: {  	s19 =	sadd.s32 $0x800, s21;
	[sflag:s16] =	ssyncadd.s32 $0xFFFFE000  }
0x1f: {  	[hbm4b:s19+s2] =	stream.linear.scatter [tilespmem:s11], [sflag:$0x2], $0x2000, $0x38;
	[tilespmem:$0xA400] =	vst v63  }
0x20: {  	_ =	swait.ge [sflag:s16], $0x2000  }
0x21: {  	[sflag:s16] =	ssyncset.done $0x0  }
0x22: {  	s20 =	sadd.s32 $0xC00, s21;
	[sflag:s16] =	ssyncadd.s32 $0xFFFFE000  }
0x23: {  	[hbm4b:s20+s2] =	stream.linear.scatter [tilespmem:s13], [sflag:$0x2], $0x2000, $0x38;
	[tilespmem:$0xA400] =	vst v63  }
0x24: {  	_ =	swait.ge [sflag:s16], $0x2000  }
0x25: {  	[sflag:s16] =	ssyncset.done $0x0  }
0x26: {  	s22 =	sadd.s32 $0x1000, s21;
	s21 =	simm.s32 $0x2;
	[sflag:s16] =	ssyncadd.s32 $0xFFFFE000  }
0x27: {  	[hbm4b:s22+s2] =	stream.linear.scatter [tilespmem:s15], [sflag:$0x2], $0x2000, $0x38;
	[tilespmem:$0xA400] =	vst v63  }
0x28: {  	_ =	swait.ge [sflag:s21], $0x2000  }
0x29: {  	[sflag:s21] =	ssyncset.done $0x0  }
0x2a: {  	[sflag:s21] =	ssyncadd.s32 $0xFFFFE000  }
0x2b: {  	_ =	swait.ge [sflag:s21], $0x2000  }
0x2c: {  	s23 =	ssub.s32 $0x2, s23;
	[sflag:s21] =	ssyncset.done $0x0  }
0x2d: {  	s24 =	sshrl.u32 s23, $0x1;
	[sflag:s21] =	ssyncadd.s32 $0xFFFFE000  }
0x2e: {  	s23 =	ssub.s32 s23, s24;
	_ =	swait.ge [sflag:s21], $0x2000  }
0x2f: {  	s23 =	smax.u32 s23, $0x1;
	[sflag:s21] =	ssyncset.done $0x0  }
0x30: {  	p0 =	sne.s32 s23, $0x1;
	[sflag:s21] =	ssyncadd.s32 $0xFFFFE000  }
.Ltmp0:
0x31: {  	_ =	swait.ge [sflag:s21], $0x2000;
	(pc) =	sbr.rel @!p0 .LBB2_2-.Ltmp0, $4  }
0x32: {  	[sflag:s21] =	ssyncset.done $0x0  }
0x33: {  	[sflag:s21] =	ssyncadd.s32 $0xFFFFE000  }
0x34: {  	_ =	swait.ge [sflag:s21], $0x2000  }
0x35: {  	s23 =	sadd.s32 $0xFFFFFFFF, s23;
	[sflag:s21] =	ssyncset.done $0x0  }
.LBB2_1:
0x36: {  	p0 =	sne.s32 s23, $0x1;
	s23 =	sadd.s32 $0xFFFFFFFF, s23;
	[sflag:s21] =	ssyncadd.s32 $0xFFFFE000  }
0x37: {  	[tilespmem:s2], [sflag:$0x3] =	stream.linear.gather [hbm4b:s3+s2], $0x280, $0x38;
	[tilespmem:$0xA400] =	vst v63  }
0x38: {  	_ =	swait.ge [sflag:s4], $0x280  }
0x39: {  	[sflag:s4] =	ssyncset.done $0x0  }
0x3a: {  	[sflag:s4] =	ssyncadd.s32 $0xFFFFFD80  }
0x3b: {  	[tilespmem:s7], [sflag:$0x1] =	stream.indirect.gather [hbm4b:s5+s6], $0x80, s2, s6, $0xb8;
	[tilespmem:$0xA400] =	vst v63  }
0x3c: {  	_ = 	snop  }
0x3d: {  	[tilespmem:s9], [sflag:$0x1] =	stream.indirect.gather [hbm4b:s5+s6], $0x80, s8, s6, $0xb8;
	[tilespmem:$0xA400] =	vst v63  }
0x3e: {  	_ = 	snop  }
0x3f: {  	[tilespmem:s11], [sflag:$0x1] =	stream.indirect.gather [hbm4b:s5+s6], $0x80, s10, s6, $0xb8;
	[tilespmem:$0xA400] =	vst v63  }
0x40: {  	_ = 	snop  }
0x41: {  	[tilespmem:s13], [sflag:$0x1] =	stream.indirect.gather [hbm4b:s5+s6], $0x80, s12, s6, $0xb8;
	[tilespmem:$0xA400] =	vst v63  }
0x42: {  	_ = 	snop  }
0x43: {  	[tilespmem:s15], [sflag:$0x1] =	stream.indirect.gather [hbm4b:s5+s6], $0x80, s14, s6, $0xb8;
	[tilespmem:$0xA400] =	vst v63  }
0x44: {  	_ =	swait.ge [sflag:s16], $0x2000  }
0x45: {  	[sflag:s16] =	ssyncset.done $0x0  }
0x46: {  	[sflag:s16] =	ssyncadd.s32 $0xFFFFE000  }
0x47: {  	[hbm4b:s17+s2] =	stream.linear.scatter [tilespmem:s7], [sflag:$0x2], $0x2000, $0x38;
	[tilespmem:$0xA400] =	vst v63  }
0x48: {  	_ =	swait.ge [sflag:s16], $0x2000  }
0x49: {  	[sflag:s16] =	ssyncset.done $0x0  }
0x4a: {  	[sflag:s16] =	ssyncadd.s32 $0xFFFFE000  }
0x4b: {  	[hbm4b:s18+s2] =	stream.linear.scatter [tilespmem:s9], [sflag:$0x2], $0x2000, $0x38;
	[tilespmem:$0xA400] =	vst v63  }
0x4c: {  	_ =	swait.ge [sflag:s16], $0x2000  }
0x4d: {  	[sflag:s16] =	ssyncset.done $0x0  }
0x4e: {  	[sflag:s16] =	ssyncadd.s32 $0xFFFFE000  }
0x4f: {  	[hbm4b:s19+s2] =	stream.linear.scatter [tilespmem:s11], [sflag:$0x2], $0x2000, $0x38;
	[tilespmem:$0xA400] =	vst v63  }
0x50: {  	_ =	swait.ge [sflag:s16], $0x2000  }
0x51: {  	[sflag:s16] =	ssyncset.done $0x0  }
0x52: {  	[sflag:s16] =	ssyncadd.s32 $0xFFFFE000  }
0x53: {  	[hbm4b:s20+s2] =	stream.linear.scatter [tilespmem:s13], [sflag:$0x2], $0x2000, $0x38;
	[tilespmem:$0xA400] =	vst v63  }
0x54: {  	_ =	swait.ge [sflag:s16], $0x2000  }
0x55: {  	[sflag:s16] =	ssyncset.done $0x0  }
0x56: {  	[sflag:s16] =	ssyncadd.s32 $0xFFFFE000  }
0x57: {  	[hbm4b:s22+s2] =	stream.linear.scatter [tilespmem:s15], [sflag:$0x2], $0x2000, $0x38;
	[tilespmem:$0xA400] =	vst v63  }
0x58: {  	_ =	swait.ge [sflag:s21], $0x2000  }
0x59: {  	[sflag:s21] =	ssyncset.done $0x0  }
0x5a: {  	[sflag:s21] =	ssyncadd.s32 $0xFFFFE000  }
0x5b: {  	_ =	swait.ge [sflag:s21], $0x2000  }
0x5c: {  	[sflag:s21] =	ssyncset.done $0x0  }
0x5d: {  	[sflag:s21] =	ssyncadd.s32 $0xFFFFE000  }
0x5e: {  	_ =	swait.ge [sflag:s21], $0x2000  }
0x5f: {  	[sflag:s21] =	ssyncset.done $0x0  }
0x60: {  	[sflag:s21] =	ssyncadd.s32 $0xFFFFE000  }
.Ltmp1:
0x61: {  	_ =	swait.ge [sflag:s21], $0x2000;
	(pc) =	sbr.rel @p0 .LBB2_1-.Ltmp1, $4  }
0x62: {  	[sflag:s21] =	ssyncset.done $0x0  }
0x63: {  	[sflag:s21] =	ssyncadd.s32 $0xFFFFE000  }
0x64: {  	_ =	swait.ge [sflag:s21], $0x2000  }
0x65: {  	[sflag:s21] =	ssyncset.done $0x0  }
.LBB2_2:
0x66: {  	[sflag:s21] =	ssyncadd.s32 $0xFFFFE000  }
0x67: {  	_ =	sfence.sel $0x180000  }
0x68: {  	[bflag:$0x0] =	sbarrier.arrive $0xFFFF  }
0x69: {  	p0 =	sne.s32 s0, $0x0;
	_ =	strace $0x9000004A  }
0x6a: {  	s0 =	sadd.s32 @!p0 $0x100000, s1;
	[bflag:$0x2] =	sbarrier.arrive $0xFFFF  }
0x6b: {  	[sflag:s0] =	ssyncadd.tile.s32 @!p0 $0x1;
	_ =	shalt  }
.Lfunc_end2:
_tile_overlayer_lowered:
.L_overlay_start_2:
0x6c: {  	(tag) =	ssettag $0x2  }
0x6d: {  	s0 =	rddreg [dreg:$0x0];
	s2 =	stileid.u32  }
0x6e: {  	s1 =	rddreg [dreg:$0x1];
	p0 =	sne.s32 s2, $0x0  }
0x6f: {  	s3 =	rddreg [dreg:$0x2];
	[bflag:$0x3] =	sbarrier.arrive $0xFFFF;
	s2 =	simm.s32 @!p0 $0x1C03  }
0x70: {  	[timem:s3], [sflag:s2] =	dma.local @!p0 [hbm:s0], s1  }
0x71: {  	s0 =	simm.s32 @!p0 $0x3  }
0x72: {  	_ =	swait.ge @!p0 [sflag:s0], s1  }
0x73: {  	s1 =	ssub.s32 @!p0 $0x0, s1;
	[sflag:s0] =	ssyncset.done @!p0 $0x0  }
0x74: {  	[sflag:s0] =	ssyncadd.s32 @!p0 s1  }
0x75: {  	[bflag:$0x3] =	sbarrier.arrive $0xFFFF  }
0x76: {  	_ =	shalt  }

</sc_bundles>
